<compile_context>
chip_gen: v7x
topology: tpu7x:2x2x1
jax: 0.10.2.dev20260603
libtpu: 0.0.44.dev20260713+nightly
codegen_flags: <defaults>
</compile_context>

<pallas_src>
import functools

import jax
import jax.numpy as jnp
from jax.experimental import pallas as pl
from jax.experimental.pallas import tpu as pltpu
from jax.experimental.pallas import tpu_sc as plsc

N = 100
NP = 104
C = 28
CP = 32
H = 64
IG = 16
SELF = 36
GWIN = 128


def _bdot(a, b):
    bf16 = jnp.bfloat16
    return jnp.dot(a.astype(bf16), b.astype(bf16),
                   preferred_element_type=jnp.float32)


def _b(a):
    return a.astype(jnp.bfloat16).astype(jnp.float32)


def _stage_a_body(si_ref, xo_ref, Ws_ref, bs_ref, Wo_ref, bo_ref, Wwo_ref,
                  Wws_ref, bw_ref, v_ref, Wa1_ref, Wa3_ref, ba_ref,
                  w_ref, pre_ref, w16_ref, lidx_ref, g16_ref):
    f32 = jnp.float32
    Bb = si_ref.shape[0]

    se = jax.nn.relu(_bdot(si_ref[...], Ws_ref[...]) + bs_ref[...])

    O3 = xo_ref[...]
    O2 = O3.reshape(Bb * NP, CP)
    OES2 = jax.nn.relu(_bdot(O2, Wo_ref[...]) + bo_ref[...])

    satt = _bdot(se, Wws_ref[...]) + bw_ref[...]
    satt2 = jnp.broadcast_to(satt[:, None, :], (Bb, NP, H)).reshape(Bb * NP, H)
    ATT = jnp.tanh(_bdot(OES2, Wwo_ref[...]) + satt2)
    scores = jnp.sum(_b(ATT).reshape(Bb, NP, H) * _b(v_ref[...]).reshape(1, 1, H),
                     axis=2)

    jidx = jax.lax.broadcasted_iota(jnp.int32, (Bb, NP), 1)
    scores = jnp.where(jidx < N, scores, -1e30)

    m = jnp.max(scores, axis=1, keepdims=True)
    e = jnp.exp(scores - m)
    w = e / jnp.sum(e, axis=1, keepdims=True)
    w_ref[...] = w[:, :N]

    wi = w[:, :, None]
    wj = w[:, None, :]
    ii = jax.lax.broadcasted_iota(jnp.int32, (Bb, NP, NP), 1)
    jj = jax.lax.broadcasted_iota(jnp.int32, (Bb, NP, NP), 2)
    beats = (wi > wj) | ((wi == wj) & (ii < jj))
    wins3 = jnp.sum(beats.astype(f32), axis=2, keepdims=True)
    topf3 = jnp.where(wins3 >= float(NP - IG), 1.0, 0.0)

    OES3 = _b(OES2).reshape(Bb, NP, H)
    uw3 = _b(wi * (1.0 - topf3))
    u_e = jnp.sum(uw3 * OES3, axis=1)

    kio = jax.lax.broadcasted_iota(jnp.int32, (Bb, NP, IG), 2)
    mk3 = wins3 == (float(NP - 1) - kio.astype(f32))
    w16_ref[...] = jnp.sum(jnp.where(mk3, wi, 0.0), axis=1)
    jio = jax.lax.broadcasted_iota(jnp.int32, (Bb, NP, IG), 1)
    lidx = jnp.sum(jnp.where(mk3, jio, 0), axis=1)
    lidx_ref[...] = lidx
    bio = jax.lax.broadcasted_iota(jnp.int32, (Bb, IG), 0)
    absb = pl.program_id(0) * Bb + bio
    g16_ref[...] = absb * (NP * CP // 128) + lidx // 4

    pre_ref[...] = (_bdot(se, Wa1_ref[...]) + _bdot(u_e, Wa3_ref[...])
                    + ba_ref[...])


def _stage_c_body(X_ref, w16_ref, lidx_ref, pre_ref, G_ref, R2_ref, Wig_ref,
                  big_ref, Wa2_ref, obs_ref):
    f32 = jnp.float32
    Bb = w16_ref.shape[0]
    lrep = jnp.dot(lidx_ref[...].astype(f32), G_ref[...],
                   preferred_element_type=f32)
    wrep = jnp.dot(w16_ref[...], G_ref[...], preferred_element_type=f32)
    qq = jax.lax.broadcasted_iota(jnp.int32, lrep.shape, 1) % 4
    hw = jnp.where((lrep.astype(jnp.int32) % 4) == qq, wrep, 0.0)
    mrep = jnp.dot(hw, R2_ref[...], preferred_element_type=f32)
    Xw = X_ref[...] * mrep
    i_e = jax.nn.relu(_bdot(Xw, Wig_ref[...]) + big_ref[...])
    obs_ref[...] = pre_ref[...] + _bdot(i_e, Wa2_ref[...])


def _sc_gather(xflat, gidx):
    nidx = gidx.shape[1]
    mesh = plsc.VectorSubcoreMesh(core_axis_name="core",
                                  subcore_axis_name="subcore")

    @functools.partial(
        pl.kernel,
        out_type=jax.ShapeDtypeStruct((nidx, 128), jnp.float32),
        mesh=mesh)
    def gather_kernel(x_hbm, i_hbm, o_hbm):
        def body(i_vmem, o_vmem):
            pltpu.sync_copy(x_hbm.at[i_vmem.at[0]], o_vmem)

        pltpu.emit_pipeline(
            body,
            grid=(nidx // GWIN,),
            in_specs=[pl.BlockSpec((1, GWIN), index_map=lambda i: (0, i))],
            out_specs=[pl.BlockSpec((GWIN, 128), index_map=lambda i: (i, 0))],
            core_axis_name=("core", "subcore"),
            dimension_semantics=(pltpu.PARALLEL,),
        )(i_hbm, o_hbm)

    return gather_kernel(xflat, gidx)


def _stage_a(si, xo, Ws, bs, Wo_p, bo, Wwo, Wws, bw, v, Wa1, Wa3, ba,
             Bb, interpret=False):
    B = si.shape[0]
    f32 = jnp.float32
    row = lambda a: a.reshape(1, -1)
    full = lambda shape: pl.BlockSpec(shape, lambda i: (0,) * len(shape))
    return pl.pallas_call(
        _stage_a_body,
        grid=(B // Bb,),
        in_specs=[
            pl.BlockSpec((Bb, SELF), lambda i: (i, 0)),
            pl.BlockSpec((Bb, NP, CP), lambda i: (i, 0, 0)),
            full((SELF, H)), full((1, H)),
            full((CP, H)), full((1, H)),
            full((H, H)), full((H, H)),
            full((1, H)), full((1, H)),
            full((H, H)), full((H, H)), full((1, H)),
        ],
        out_specs=[
            pl.BlockSpec((Bb, N), lambda i: (i, 0)),
            pl.BlockSpec((Bb, H), lambda i: (i, 0)),
            pl.BlockSpec((Bb, IG), lambda i: (i, 0)),
            pl.BlockSpec((Bb, IG), lambda i: (i, 0)),
            pl.BlockSpec((Bb, IG), lambda i: (i, 0)),
        ],
        out_shape=[
            jax.ShapeDtypeStruct((B, N), f32),
            jax.ShapeDtypeStruct((B, H), f32),
            jax.ShapeDtypeStruct((B, IG), f32),
            jax.ShapeDtypeStruct((B, IG), jnp.int32),
            jax.ShapeDtypeStruct((B, IG), jnp.int32),
        ],
        interpret=interpret,
    )(si, xo, Ws, row(bs), Wo_p, row(bo), Wwo, Wws, row(bw), row(v),
      Wa1, Wa3, row(ba))


def _stage_c(X2, w16, lidx, pre, G, R2, Wig2048, big, Wa2, Bb,
             interpret=False):
    B = w16.shape[0]
    f32 = jnp.float32
    row = lambda a: a.reshape(1, -1)
    full = lambda shape: pl.BlockSpec(shape, lambda i: (0,) * len(shape))
    return pl.pallas_call(
        _stage_c_body,
        grid=(B // Bb,),
        in_specs=[
            pl.BlockSpec((Bb, IG * 128), lambda i: (i, 0)),
            pl.BlockSpec((Bb, IG), lambda i: (i, 0)),
            pl.BlockSpec((Bb, IG), lambda i: (i, 0)),
            pl.BlockSpec((Bb, H), lambda i: (i, 0)),
            full((IG, 4 * IG)),
            full((4 * IG, IG * 128)),
            full((IG * 128, H)), full((1, H)),
            full((H, H)),
        ],
        out_specs=pl.BlockSpec((Bb, H), lambda i: (i, 0)),
        out_shape=jax.ShapeDtypeStruct((B, H), f32),
        interpret=interpret,
    )(X2, w16, lidx, pre, G, R2, Wig2048, row(big), Wa2)


@jax.jit
def kernel(x, Ws, bs, Wo, bo, Ww, bw, v, Wig, big, Wa, ba):
    B = x.shape[0]
    f32 = jnp.float32

    si = x[:, :SELF]
    xo = jnp.pad(x[:, SELF:].reshape(B, N, C),
                 ((0, 0), (0, NP - N), (0, CP - C)))
    Wo_p = jnp.pad(Wo, ((0, CP - C), (0, 0)))
    Wig_p = jnp.pad(Wig.reshape(IG, C, H),
                    ((0, 0), (0, CP - C), (0, 0)))
    Wig2048 = jnp.broadcast_to(Wig_p[:, None], (IG, 4, CP, H)).reshape(
        IG * 4 * CP, H)
    Wwo, Wws = Ww[:H], Ww[H:]
    Wa1, Wa2, Wa3 = Wa[:H], Wa[H:2 * H], Wa[2 * H:]
    G = jnp.kron(jnp.eye(IG, dtype=f32), jnp.ones((1, 4), f32))
    R2 = jnp.kron(jnp.eye(4 * IG, dtype=f32), jnp.ones((1, CP), f32))

    w, pre, w16, lidx, g16 = _stage_a(si, xo, Ws, bs, Wo_p, bo, Wwo, Wws, bw,
                                      v, Wa1, Wa3, ba, Bb=128)
    X = _sc_gather(xo.reshape(B * NP * CP // 128, 128),
                   g16.reshape(1, B * IG))
    obs = _stage_c(X.reshape(B, IG * 128), w16, lidx, pre, G, R2, Wig2048,
                   big, Wa2, Bb=512)
    return obs, w

# --- scband reference (transcript-rebuilt; emitter-appended) ---
"""Pipeline reference for scband-group-net-38852274160107 (READ-ONLY COPY).

The authoritative reference and input builder live on the scoring server;
editing this copy changes nothing except your own understanding.
"""

import jax, jax.numpy as jnp
import numpy as np

B = 16384
OTHER = 100
H = 64
IG = 16

def setup_inputs(seed: int = 0) -> dict:
    key = jax.random.key(seed)
    ks = jax.random.split(key, 8)
    def p(k, shape, scale=0.05):
        return jax.random.normal(k, shape, dtype=jnp.float32) * scale
    inp = {
        "x": jax.random.normal(ks[0], (B, 36 + OTHER * 28), dtype=jnp.float32),
        "Ws": p(ks[1], (36, H)), "bs": jnp.zeros((H,), jnp.float32),
        "Wo": p(ks[2], (28, H)), "bo": jnp.zeros((H,), jnp.float32),
        "Ww": p(ks[3], (2 * H, H)), "bw": jnp.zeros((H,), jnp.float32),
        "v": p(ks[4], (H,)),
        "Wig": p(ks[5], (IG * 28, H)), "big": jnp.zeros((H,), jnp.float32),
        "Wa": p(ks[6], (3 * H, H)), "ba": jnp.zeros((H,), jnp.float32),
    }
    return inp

def reference(x, Ws, bs, Wo, bo, Ww, bw, v, Wig, big, Wa, ba):
    batch = x.shape[0]
    self_info = x[:, 0:36]
    other_info = x[:, 36:].reshape(batch, OTHER, 28)
    other_es = jax.nn.relu(other_info @ Wo + bo)              # [B, N, H]
    self_e = jax.nn.relu(self_info @ Ws + bs)                 # [B, H]
    self_rep = jnp.broadcast_to(self_e[:, None, :], (batch, OTHER, H))
    att = jnp.tanh(jnp.concatenate([other_es, self_rep], axis=2) @ Ww + bw)  # [B, N, H]
    scores = att @ v                                           # [B, N]
    weights = jax.nn.softmax(scores, axis=1)                   # [B, N]
    # descending sort (torch .sort(descending=True))
    order = jnp.argsort(-weights, axis=1)                      # [B, N]
    sortw = jnp.take_along_axis(weights, order, axis=1)        # [B, N]
    i_idx = order[:, 0:IG]                                     # [B, IG]
    u_idx = order[:, IG:]                                      # [B, N-IG]
    i_w = sortw[:, 0:IG][:, :, None]                           # [B, IG, 1] (broadcasts to ori_dim)
    u_w = sortw[:, IG:][:, None, :]                            # [B, 1, N-IG]
    i_group = jnp.take_along_axis(other_info, i_idx[:, :, None], axis=1)   # [B, IG, 28]
    u_group = jnp.take_along_axis(other_es, u_idx[:, :, None], axis=1)     # [B, N-IG, H]
    i_e = jax.nn.relu((i_group * i_w).reshape(batch, -1) @ Wig + big)      # [B, H]
    u_e = jnp.matmul(u_w, u_group)[:, 0, :]                    # [B, H]
    obs_e = jnp.concatenate([self_e, i_e, u_e], axis=1) @ Wa + ba          # [B, H]
    return (obs_e, weights)

if __name__ == "__main__":
    import jax
    _d = setup_inputs()
    print(jax.jit(kernel)(*tuple(_d.values())))

</pallas_src>

<mosaic_0001>
#map = affine_map<(d0, d1) -> (0, 0)>
module attributes {stable_mosaic.version = 14 : i64} {
  func.func @gather_kernel(%arg0: i32, %arg1: i32, %arg2: memref<425984x128xf32, #tpu.memory_space<hbm>>, %arg3: memref<1x262144xi32, #tpu.memory_space<hbm>>, %arg4: memref<262144x128xf32, #tpu.memory_space<hbm>>) attributes {dimension_semantics = [#tpu.dimension_semantics<core_parallel>, #tpu.dimension_semantics<subcore_parallel>], iteration_bounds = array<i64: 2, 16>, scalar_prefetch = 0 : i64, scratch_operands = 0 : i64, tpu.core_type = #tpu.core_type<sc_vector_subcore>, window_params = [{transform_indices = #map}, {transform_indices = #map}, {transform_indices = #map}]} {
    %mul3A = arith.constant 1 : i32
    %mul3A_0 = arith.muli %arg1, %mul3A : i32
    %add3A = arith.constant 0 : i32
    %add3A_1 = arith.addi %add3A, %mul3A_0 : i32
    %mul3A_2 = arith.constant 16 : i32
    %mul3A_3 = arith.muli %arg0, %mul3A_2 : i32
    %add3A_4 = arith.addi %add3A_1, %mul3A_3 : i32
    %mul3A_5 = arith.constant 64 : i32
    %mul3A_6 = arith.muli %add3A_4, %mul3A_5 : i32
    "tpu.region"() ({
      %run_scoped3A = memref.alloca() : memref<2x1x128xi32, #tpu.memory_space<vmem>>
      %run_scoped3A_7 = tpu.sem_alloc : memref<2x!tpu.dma_semaphore, #tpu.memory_space<semaphore_mem>>
      %run_scoped3A_8 = memref.alloca() : memref<2x128x128xf32, #tpu.memory_space<vmem>>
      %run_scoped3A_9 = tpu.sem_alloc : memref<2x!tpu.dma_semaphore, #tpu.memory_space<semaphore_mem>>
      %add3A_10 = arith.constant 0 : i32
      %add3A_11 = arith.addi %add3A_10, %mul3A_6 : i32
      %select_n3A = arith.constant true
      %select_n3A_12 = arith.constant 0 : i32
      %select_n3A_13 = arith.constant -1 : i32
      %select_n3A_14 = arith.select %select_n3A, %select_n3A_13, %select_n3A_12 : i32
      %eq3A = arith.constant -1 : i32
      %eq3A_15 = arith.cmpi eq, %select_n3A_14, %eq3A : i32
      %select_n3A_16 = arith.constant 63 : i32
      %select_n3A_17 = arith.select %eq3A_15, %select_n3A_16, %select_n3A_14 : i32
      %add3A_18 = arith.addi %select_n3A_17, %mul3A_6 : i32
      %select_n3A_19 = arith.constant true
      %select_n3A_20 = arith.constant 0 : i32
      %select_n3A_21 = arith.constant 1 : i32
      %select_n3A_22 = arith.select %select_n3A_19, %select_n3A_21, %select_n3A_20 : i32
      %eq3A_23 = arith.constant 64 : i32
      %eq3A_24 = arith.cmpi eq, %select_n3A_22, %eq3A_23 : i32
      %select_n3A_25 = arith.constant 0 : i32
      %select_n3A_26 = arith.select %eq3A_24, %select_n3A_25, %select_n3A_22 : i32
      %add3A_27 = arith.addi %select_n3A_26, %mul3A_6 : i32
      %add3A_28 = arith.constant 1 : i32
      %add3A_29 = arith.addi %select_n3A_26, %add3A_28 : i32
      %select_n3A_30 = arith.constant true
      %select_n3A_31 = arith.select %select_n3A_30, %add3A_29, %select_n3A_26 : i32
      %eq3A_32 = arith.constant 64 : i32
      %eq3A_33 = arith.cmpi eq, %select_n3A_31, %eq3A_32 : i32
      %select_n3A_34 = arith.constant 0 : i32
      %select_n3A_35 = arith.select %eq3A_33, %select_n3A_34, %select_n3A_31 : i32
      %add3A_36 = arith.addi %select_n3A_35, %mul3A_6 : i32
      "tpu.trace_start"() <{level = 10 : i32, message = "ep_initialize_0"}> : () -> ()
      %rem3A = arith.constant 0 : i32
      %rem3A_37 = arith.constant 2 : i32
      %rem3A_38 = arith.remui %rem3A, %rem3A_37 : i32
      %mul3A_39 = arith.constant 128 : i32
      %mul3A_40 = arith.muli %mul3A_39, %add3A_11 : i32
      %dma_start3A = arith.constant 0 : i32
      %dma_start3A_41 = arith.constant 0 : i32
      %dma_start3A_42 = tpu.memref_slice %run_scoped3A[%rem3A_38, %dma_start3A, %dma_start3A_41] : memref<2x1x128xi32, #tpu.memory_space<vmem>> -> memref<1x1x128xi32, #tpu.memory_space<vmem>>
      %dma_start3A_43 = tpu.memref_squeeze %dma_start3A_42 : memref<1x1x128xi32, #tpu.memory_space<vmem>> -> memref<1x128xi32, #tpu.memory_space<vmem>>
      %dma_start3A_44 = arith.constant 0 : i32
      %dma_start3A_45 = tpu.memref_slice %arg3[%dma_start3A_44, %mul3A_40] : memref<1x262144xi32, #tpu.memory_space<hbm>> -> memref<1x128xi32, #tpu.memory_space<hbm>>
      %dma_start3A_46 = tpu.memref_slice %run_scoped3A_7[%rem3A_38] : memref<2x!tpu.dma_semaphore, #tpu.memory_space<semaphore_mem>> -> memref<1x!tpu.dma_semaphore, #tpu.memory_space<semaphore_mem>>
      %dma_start3A_47 = tpu.memref_squeeze %dma_start3A_46 : memref<1x!tpu.dma_semaphore, #tpu.memory_space<semaphore_mem>> -> memref<!tpu.dma_semaphore, #tpu.memory_space<semaphore_mem>>
      %dma_start3A_48 = arith.constant 0 : i32
      %dma_start3A_49 = arith.constant 0 : i32
      %dma_start3A_50 = tpu.memref_slice %run_scoped3A[%rem3A_38, %dma_start3A_48, %dma_start3A_49] : memref<2x1x128xi32, #tpu.memory_space<vmem>> -> memref<1x1x128xi32, #tpu.memory_space<vmem>>
      %dma_start3A_51 = tpu.memref_squeeze %dma_start3A_50 : memref<1x1x128xi32, #tpu.memory_space<vmem>> -> memref<1x128xi32, #tpu.memory_space<vmem>>
      %dma_start3A_52 = arith.constant 0 : i32
      %dma_start3A_53 = tpu.memref_slice %arg3[%dma_start3A_52, %mul3A_40] : memref<1x262144xi32, #tpu.memory_space<hbm>> -> memref<1x128xi32, #tpu.memory_space<hbm>>
      tpu.enqueue_dma source(%dma_start3A_53 : memref<1x128xi32, #tpu.memory_space<hbm>>) target(%dma_start3A_51 : memref<1x128xi32, #tpu.memory_space<vmem>>) target_semaphore(%dma_start3A_47 : memref<!tpu.dma_semaphore, #tpu.memory_space<semaphore_mem>>)
      %add3A_54 = arith.constant 0 : i32
      %add3A_55 = arith.constant 1 : i32
      %add3A_56 = arith.addi %add3A_54, %add3A_55 : i32
      %select_n3A_57 = arith.constant true
      %select_n3A_58 = arith.constant 0 : i32
      %select_n3A_59 = arith.select %select_n3A_57, %add3A_56, %select_n3A_58 : i32
      "tpu.trace_stop"() : () -> ()
      %scan3A = arith.constant 0 : i32
      %scan3A_60 = arith.constant 0 : i32
      %scan3A_61 = arith.constant 0 : i32
      %scan3A_62 = arith.constant 0 : i32
      %scan3A_63 = arith.constant 0 : i32
      %scan3A_64 = arith.constant 64 : i32
      %scan3A_65 = arith.addi %scan3A_63, %scan3A_64 : i32
      %scan3A_66 = arith.constant 1 : i32
      %scan3A_67:5 = scf.for %scan3A_121 = %scan3A_63 to %scan3A_65 step %scan3A_66 iter_args(%scan3A_122 = %select_n3A_59, %scan3A_123 = %scan3A, %scan3A_124 = %scan3A_60, %scan3A_125 = %scan3A_61, %scan3A_126 = %scan3A_62) -> (i32, i32, i32, i32, i32)  : i32 {
        %eq3A_127 = arith.constant 0 : i32
        %eq3A_128 = arith.cmpi eq, %scan3A_121, %eq3A_127 : i32
        %eq3A_129 = arith.constant 63 : i32
        %eq3A_130 = arith.cmpi eq, %scan3A_121, %eq3A_129 : i32
        %add3A_131 = arith.addi %scan3A_126, %mul3A_6 : i32
        %sub3A_132 = arith.constant 1 : i32
        %sub3A_133 = arith.subi %scan3A_126, %sub3A_132 : i32
        %select_n3A_134 = arith.constant true
        %select_n3A_135 = arith.select %select_n3A_134, %sub3A_133, %scan3A_126 : i32
        %eq3A_136 = arith.constant -1 : i32
        %eq3A_137 = arith.cmpi eq, %select_n3A_135, %eq3A_136 : i32
        %select_n3A_138 = arith.constant 63 : i32
        %select_n3A_139 = arith.select %eq3A_137, %select_n3A_138, %select_n3A_135 : i32
        %add3A_140 = arith.addi %select_n3A_139, %mul3A_6 : i32
        %add3A_141 = arith.constant 1 : i32
        %add3A_142 = arith.addi %scan3A_126, %add3A_141 : i32
        %select_n3A_143 = arith.constant true
        %select_n3A_144 = arith.select %select_n3A_143, %add3A_142, %scan3A_126 : i32
        %eq3A_145 = arith.constant 64 : i32
        %eq3A_146 = arith.cmpi eq, %select_n3A_144, %eq3A_145 : i32
        %select_n3A_147 = arith.constant 0 : i32
        %select_n3A_148 = arith.select %eq3A_146, %select_n3A_147, %select_n3A_144 : i32
        %add3A_149 = arith.addi %select_n3A_148, %mul3A_6 : i32
        %add3A_150 = arith.constant 1 : i32
        %add3A_151 = arith.addi %select_n3A_148, %add3A_150 : i32
        %select_n3A_152 = arith.constant true
        %select_n3A_153 = arith.select %select_n3A_152, %add3A_151, %select_n3A_148 : i32
        %eq3A_154 = arith.constant 64 : i32
        %eq3A_155 = arith.cmpi eq, %select_n3A_153, %eq3A_154 : i32
        %select_n3A_156 = arith.constant 0 : i32
        %select_n3A_157 = arith.select %eq3A_155, %select_n3A_156, %select_n3A_153 : i32
        %add3A_158 = arith.addi %select_n3A_157, %mul3A_6 : i32
        %ne3A = arith.cmpi ne, %add3A_131, %add3A_149 : i32
        %or3A = arith.constant false
        %or3A_159 = arith.ori %or3A, %ne3A : i1
        %ge3A = arith.constant 63 : i32
        %ge3A_160 = arith.cmpi sge, %scan3A_121, %ge3A : i32
        %not3A = arith.constant true
        %not3A_161 = arith.xori %ge3A_160, %not3A : i1
        %and3A = arith.andi %or3A_159, %not3A_161 : i1
        %convert_element_type3A = arith.extui %and3A : i1 to i32
        %cond3A = arith.constant 0 : i32
        %cond3A_162 = arith.cmpi ne, %convert_element_type3A, %cond3A : i32
        scf.if %cond3A_162 {
          "tpu.trace_start"() <{level = 10 : i32, message = "ep_copy_in"}> : () -> ()
          %rem3A_264 = arith.constant 2 : i32
          %rem3A_265 = arith.remui %scan3A_122, %rem3A_264 : i32
          %mul3A_266 = arith.constant 128 : i32
          %mul3A_267 = arith.muli %mul3A_266, %add3A_149 : i32
          %dma_start3A_268 = arith.constant 0 : i32
          %dma_start3A_269 = arith.constant 0 : i32
          %dma_start3A_270 = tpu.memref_slice %run_scoped3A[%rem3A_265, %dma_start3A_268, %dma_start3A_269] : memref<2x1x128xi32, #tpu.memory_space<vmem>> -> memref<1x1x128xi32, #tpu.memory_space<vmem>>
          %dma_start3A_271 = tpu.memref_squeeze %dma_start3A_270 : memref<1x1x128xi32, #tpu.memory_space<vmem>> -> memref<1x128xi32, #tpu.memory_space<vmem>>
          %dma_start3A_272 = arith.constant 0 : i32
          %dma_start3A_273 = tpu.memref_slice %arg3[%dma_start3A_272, %mul3A_267] : memref<1x262144xi32, #tpu.memory_space<hbm>> -> memref<1x128xi32, #tpu.memory_space<hbm>>
          %dma_start3A_274 = tpu.memref_slice %run_scoped3A_7[%rem3A_265] : memref<2x!tpu.dma_semaphore, #tpu.memory_space<semaphore_mem>> -> memref<1x!tpu.dma_semaphore, #tpu.memory_space<semaphore_mem>>
          %dma_start3A_275 = tpu.memref_squeeze %dma_start3A_274 : memref<1x!tpu.dma_semaphore, #tpu.memory_space<semaphore_mem>> -> memref<!tpu.dma_semaphore, #tpu.memory_space<semaphore_mem>>
          %dma_start3A_276 = arith.constant 0 : i32
          %dma_start3A_277 = arith.constant 0 : i32
          %dma_start3A_278 = tpu.memref_slice %run_scoped3A[%rem3A_265, %dma_start3A_276, %dma_start3A_277] : memref<2x1x128xi32, #tpu.memory_space<vmem>> -> memref<1x1x128xi32, #tpu.memory_space<vmem>>
          %dma_start3A_279 = tpu.memref_squeeze %dma_start3A_278 : memref<1x1x128xi32, #tpu.memory_space<vmem>> -> memref<1x128xi32, #tpu.memory_space<vmem>>
          %dma_start3A_280 = arith.constant 0 : i32
          %dma_start3A_281 = tpu.memref_slice %arg3[%dma_start3A_280, %mul3A_267] : memref<1x262144xi32, #tpu.memory_space<hbm>> -> memref<1x128xi32, #tpu.memory_space<hbm>>
          tpu.enqueue_dma source(%dma_start3A_281 : memref<1x128xi32, #tpu.memory_space<hbm>>) target(%dma_start3A_279 : memref<1x128xi32, #tpu.memory_space<vmem>>) target_semaphore(%dma_start3A_275 : memref<!tpu.dma_semaphore, #tpu.memory_space<semaphore_mem>>)
          "tpu.trace_stop"() : () -> ()
        } else {
        }
        %and3A_163 = arith.constant true
        %and3A_164 = arith.andi %and3A, %and3A_163 : i1
        %add3A_165 = arith.constant 1 : i32
        %add3A_166 = arith.addi %scan3A_122, %add3A_165 : i32
        %select_n3A_167 = arith.select %and3A_164, %add3A_166, %scan3A_122 : i32
        %ne3A_168 = arith.cmpi ne, %add3A_131, %add3A_149 : i32
        %or3A_169 = arith.constant false
        %or3A_170 = arith.ori %or3A_169, %ne3A_168 : i1
        %or3A_171 = arith.constant false
        %or3A_172 = arith.ori %or3A_170, %or3A_171 : i1
        %ge3A_173 = arith.constant 63 : i32
        %ge3A_174 = arith.cmpi sge, %scan3A_121, %ge3A_173 : i32
        %not3A_175 = arith.constant true
        %not3A_176 = arith.xori %ge3A_174, %not3A_175 : i1
        %and3A_177 = arith.andi %or3A_172, %not3A_176 : i1
        %ne3A_178 = arith.cmpi ne, %add3A_131, %add3A_140 : i32
        %or3A_179 = arith.constant false
        %or3A_180 = arith.ori %or3A_179, %ne3A_178 : i1
        %or3A_181 = arith.ori %or3A_180, %eq3A_128 : i1
        %convert_element_type3A_182 = arith.extui %or3A_181 : i1 to i32
        %cond3A_183 = arith.constant 0 : i32
        %cond3A_184 = arith.cmpi ne, %convert_element_type3A_182, %cond3A_183 : i32
        scf.if %cond3A_184 {
          "tpu.trace_start"() <{level = 10 : i32, message = "ep_wait_in"}> : () -> ()
          %mul3A_264 = arith.constant 128 : i32
          %mul3A_265 = arith.muli %mul3A_264, %add3A_131 : i32
          %rem3A_266 = arith.constant 2 : i32
          %rem3A_267 = arith.remui %scan3A_123, %rem3A_266 : i32
          %dma_wait3A_268 = arith.constant 0 : i32
          %dma_wait3A_269 = arith.constant 0 : i32
          %dma_wait3A_270 = tpu.memref_slice %run_scoped3A[%rem3A_267, %dma_wait3A_268, %dma_wait3A_269] : memref<2x1x128xi32, #tpu.memory_space<vmem>> -> memref<1x1x128xi32, #tpu.memory_space<vmem>>
          %dma_wait3A_271 = tpu.memref_squeeze %dma_wait3A_270 : memref<1x1x128xi32, #tpu.memory_space<vmem>> -> memref<1x128xi32, #tpu.memory_space<vmem>>
          %dma_wait3A_272 = arith.constant 0 : i32
          %dma_wait3A_273 = tpu.memref_slice %arg3[%dma_wait3A_272, %mul3A_265] : memref<1x262144xi32, #tpu.memory_space<hbm>> -> memref<1x128xi32, #tpu.memory_space<hbm>>
          %dma_wait3A_274 = tpu.memref_slice %run_scoped3A_7[%rem3A_267] : memref<2x!tpu.dma_semaphore, #tpu.memory_space<semaphore_mem>> -> memref<1x!tpu.dma_semaphore, #tpu.memory_space<semaphore_mem>>
          %dma_wait3A_275 = tpu.memref_squeeze %dma_wait3A_274 : memref<1x!tpu.dma_semaphore, #tpu.memory_space<semaphore_mem>> -> memref<!tpu.dma_semaphore, #tpu.memory_space<semaphore_mem>>
          %dma_wait3A_276 = arith.constant 0 : i32
          %dma_wait3A_277 = arith.constant 0 : i32
          %dma_wait3A_278 = tpu.memref_slice %run_scoped3A[%rem3A_267, %dma_wait3A_276, %dma_wait3A_277] : memref<2x1x128xi32, #tpu.memory_space<vmem>> -> memref<1x1x128xi32, #tpu.memory_space<vmem>>
          %dma_wait3A_279 = tpu.memref_squeeze %dma_wait3A_278 : memref<1x1x128xi32, #tpu.memory_space<vmem>> -> memref<1x128xi32, #tpu.memory_space<vmem>>
          %dma_wait3A_280 = arith.constant 0 : i32
          %dma_wait3A_281 = tpu.memref_slice %arg3[%dma_wait3A_280, %mul3A_265] : memref<1x262144xi32, #tpu.memory_space<hbm>> -> memref<1x128xi32, #tpu.memory_space<hbm>>
          tpu.wait_dma2 semaphore(%dma_wait3A_275 : memref<!tpu.dma_semaphore, #tpu.memory_space<semaphore_mem>>) src(%dma_wait3A_281 : memref<1x128xi32, #tpu.memory_space<hbm>>) dst(%dma_wait3A_279 : memref<1x128xi32, #tpu.memory_space<vmem>>)
          "tpu.trace_stop"() : () -> ()
        } else {
        }
        %ne3A_185 = arith.cmpi ne, %add3A_131, %add3A_140 : i32
        %or3A_186 = arith.constant false
        %or3A_187 = arith.ori %or3A_186, %ne3A_185 : i1
        %or3A_188 = arith.constant false
        %or3A_189 = arith.ori %or3A_187, %or3A_188 : i1
        %or3A_190 = arith.ori %or3A_189, %eq3A_128 : i1
        %convert_element_type3A_191 = arith.extui %or3A_190 : i1 to i32
        %cond3A_192 = arith.constant 0 : i32
        %cond3A_193 = arith.cmpi ne, %convert_element_type3A_191, %cond3A_192 : i32
        scf.if %cond3A_193 {
        } else {
        }
        %rem3A_194 = arith.constant 2 : i32
        %rem3A_195 = arith.remui %scan3A_123, %rem3A_194 : i32
        %rem3A_196 = arith.constant 2 : i32
        %rem3A_197 = arith.remui %scan3A_124, %rem3A_196 : i32
        %run_scoped3A_198 = arith.constant 0 : i32
        "tpu.trace_start"() <{level = 10 : i32, message = "ep_run_kernel"}> : () -> ()
        "tpu.region"() ({
          %run_scoped3A_264 = tpu.sem_alloc : memref<!tpu.dma_semaphore, #tpu.memory_space<semaphore_mem>>
          %dma_start3A_265 = arith.constant 0 : i32
          %dma_start3A_266 = arith.constant 0 : i32
          %dma_start3A_267 = tpu.memref_slice %run_scoped3A_8[%rem3A_197, %dma_start3A_265, %dma_start3A_266] : memref<2x128x128xf32, #tpu.memory_space<vmem>> -> memref<1x128x128xf32, #tpu.memory_space<vmem>>
          %dma_start3A_268 = tpu.memref_squeeze %dma_start3A_267 : memref<1x128x128xf32, #tpu.memory_space<vmem>> -> memref<128x128xf32, #tpu.memory_space<vmem>>
          %dma_start3A_269 = arith.constant 0 : i32
          %dma_start3A_270 = arith.constant 0 : i32
          %dma_start3A_271 = tpu.memref_slice %run_scoped3A[%rem3A_195, %dma_start3A_269, %dma_start3A_270] : memref<2x1x128xi32, #tpu.memory_space<vmem>> -> memref<1x1x128xi32, #tpu.memory_space<vmem>>
          %dma_start3A_272 = tpu.memref_squeeze %dma_start3A_271 : memref<1x1x128xi32, #tpu.memory_space<vmem>> -> memref<1x128xi32, #tpu.memory_space<vmem>>
          %dma_start3A_273 = arith.constant 0 : i32
          %dma_start3A_274 = tpu.memref_slice %dma_start3A_272[%run_scoped3A_198, %dma_start3A_273] : memref<1x128xi32, #tpu.memory_space<vmem>> -> memref<1x128xi32, #tpu.memory_space<vmem>>
          %dma_start3A_275 = tpu.memref_squeeze %dma_start3A_274 : memref<1x128xi32, #tpu.memory_space<vmem>> -> memref<128xi32, #tpu.memory_space<vmem>>
          %dma_start3A_276 = arith.constant 0 : i32
          %dma_start3A_277 = arith.constant 0 : i32
          %dma_start3A_278 = tpu.memref_slice %arg2[%dma_start3A_276, %dma_start3A_277] : memref<425984x128xf32, #tpu.memory_space<hbm>> -> memref<425984x128xf32, #tpu.memory_space<hbm>>
          tpu.enqueue_indirect_dma source(%dma_start3A_278 : memref<425984x128xf32, #tpu.memory_space<hbm>>) target(%dma_start3A_268 : memref<128x128xf32, #tpu.memory_space<vmem>>) offsets(%dma_start3A_275 : memref<128xi32, #tpu.memory_space<vmem>>) semaphore(%run_scoped3A_264 : memref<!tpu.dma_semaphore, #tpu.memory_space<semaphore_mem>>)
          %dma_wait3A_279 = arith.constant 0 : i32
          %dma_wait3A_280 = arith.constant 0 : i32
          %dma_wait3A_281 = tpu.memref_slice %run_scoped3A_8[%rem3A_197, %dma_wait3A_279, %dma_wait3A_280] : memref<2x128x128xf32, #tpu.memory_space<vmem>> -> memref<1x128x128xf32, #tpu.memory_space<vmem>>
          %dma_wait3A_282 = tpu.memref_squeeze %dma_wait3A_281 : memref<1x128x128xf32, #tpu.memory_space<vmem>> -> memref<128x128xf32, #tpu.memory_space<vmem>>
          %dma_wait3A_283 = arith.constant 0 : i32
          %dma_wait3A_284 = arith.constant 0 : i32
          %dma_wait3A_285 = tpu.memref_slice %run_scoped3A[%rem3A_195, %dma_wait3A_283, %dma_wait3A_284] : memref<2x1x128xi32, #tpu.memory_space<vmem>> -> memref<1x1x128xi32, #tpu.memory_space<vmem>>
          %dma_wait3A_286 = tpu.memref_squeeze %dma_wait3A_285 : memref<1x1x128xi32, #tpu.memory_space<vmem>> -> memref<1x128xi32, #tpu.memory_space<vmem>>
          %dma_wait3A_287 = arith.constant 0 : i32
          %dma_wait3A_288 = tpu.memref_slice %dma_wait3A_286[%run_scoped3A_198, %dma_wait3A_287] : memref<1x128xi32, #tpu.memory_space<vmem>> -> memref<1x128xi32, #tpu.memory_space<vmem>>
          %dma_wait3A_289 = tpu.memref_squeeze %dma_wait3A_288 : memref<1x128xi32, #tpu.memory_space<vmem>> -> memref<128xi32, #tpu.memory_space<vmem>>
          %dma_wait3A_290 = arith.constant 0 : i32
          %dma_wait3A_291 = arith.constant 0 : i32
          %dma_wait3A_292 = tpu.memref_slice %arg2[%dma_wait3A_290, %dma_wait3A_291] : memref<425984x128xf32, #tpu.memory_space<hbm>> -> memref<425984x128xf32, #tpu.memory_space<hbm>>
          tpu.wait_indirect_dma semaphore(%run_scoped3A_264 : memref<!tpu.dma_semaphore, #tpu.memory_space<semaphore_mem>>) src(%dma_wait3A_292 : memref<425984x128xf32, #tpu.memory_space<hbm>>) dst(%dma_wait3A_282 : memref<128x128xf32, #tpu.memory_space<vmem>>)
          tpu.yield
        }) : () -> ()
        "tpu.trace_stop"() : () -> ()
        %ne3A_199 = arith.cmpi ne, %add3A_131, %add3A_149 : i32
        %or3A_200 = arith.constant false
        %or3A_201 = arith.ori %or3A_200, %ne3A_199 : i1
        %or3A_202 = arith.ori %or3A_201, %eq3A_130 : i1
        %convert_element_type3A_203 = arith.extui %or3A_202 : i1 to i32
        %cond3A_204 = arith.constant 0 : i32
        %cond3A_205 = arith.cmpi ne, %convert_element_type3A_203, %cond3A_204 : i32
        scf.if %cond3A_205 {
        } else {
        }
        %and3A_206 = arith.constant false
        %and3A_207 = arith.andi %or3A_202, %and3A_206 : i1
        %ne3A_208 = arith.cmpi ne, %add3A_131, %add3A_149 : i32
        %or3A_209 = arith.constant false
        %or3A_210 = arith.ori %or3A_209, %ne3A_208 : i1
        %or3A_211 = arith.constant false
        %or3A_212 = arith.ori %or3A_210, %or3A_211 : i1
        %or3A_213 = arith.ori %or3A_212, %eq3A_130 : i1
        %convert_element_type3A_214 = arith.extui %or3A_213 : i1 to i32
        %cond3A_215 = arith.constant 0 : i32
        %cond3A_216 = arith.cmpi ne, %convert_element_type3A_214, %cond3A_215 : i32
        scf.if %cond3A_216 {
          "tpu.trace_start"() <{level = 10 : i32, message = "ep_copy_out"}> : () -> ()
          %rem3A_264 = arith.constant 2 : i32
          %rem3A_265 = arith.remui %scan3A_124, %rem3A_264 : i32
          %mul3A_266 = arith.constant 128 : i32
          %mul3A_267 = arith.muli %mul3A_266, %add3A_131 : i32
          %dma_start3A_268 = arith.constant 0 : i32
          %dma_start3A_269 = arith.constant 0 : i32
          %dma_start3A_270 = tpu.memref_slice %run_scoped3A_8[%rem3A_265, %dma_start3A_268, %dma_start3A_269] : memref<2x128x128xf32, #tpu.memory_space<vmem>> -> memref<1x128x128xf32, #tpu.memory_space<vmem>>
          %dma_start3A_271 = tpu.memref_squeeze %dma_start3A_270 : memref<1x128x128xf32, #tpu.memory_space<vmem>> -> memref<128x128xf32, #tpu.memory_space<vmem>>
          %dma_start3A_272 = arith.constant 0 : i32
          %dma_start3A_273 = tpu.memref_slice %arg4[%mul3A_267, %dma_start3A_272] : memref<262144x128xf32, #tpu.memory_space<hbm>> -> memref<128x128xf32, #tpu.memory_space<hbm>>
          %dma_start3A_274 = tpu.memref_slice %run_scoped3A_9[%rem3A_265] : memref<2x!tpu.dma_semaphore, #tpu.memory_space<semaphore_mem>> -> memref<1x!tpu.dma_semaphore, #tpu.memory_space<semaphore_mem>>
          %dma_start3A_275 = tpu.memref_squeeze %dma_start3A_274 : memref<1x!tpu.dma_semaphore, #tpu.memory_space<semaphore_mem>> -> memref<!tpu.dma_semaphore, #tpu.memory_space<semaphore_mem>>
          %dma_start3A_276 = arith.constant 0 : i32
          %dma_start3A_277 = tpu.memref_slice %arg4[%mul3A_267, %dma_start3A_276] : memref<262144x128xf32, #tpu.memory_space<hbm>> -> memref<128x128xf32, #tpu.memory_space<hbm>>
          %dma_start3A_278 = arith.constant 0 : i32
          %dma_start3A_279 = arith.constant 0 : i32
          %dma_start3A_280 = tpu.memref_slice %run_scoped3A_8[%rem3A_265, %dma_start3A_278, %dma_start3A_279] : memref<2x128x128xf32, #tpu.memory_space<vmem>> -> memref<1x128x128xf32, #tpu.memory_space<vmem>>
          %dma_start3A_281 = tpu.memref_squeeze %dma_start3A_280 : memref<1x128x128xf32, #tpu.memory_space<vmem>> -> memref<128x128xf32, #tpu.memory_space<vmem>>
          tpu.enqueue_dma source(%dma_start3A_281 : memref<128x128xf32, #tpu.memory_space<vmem>>) target(%dma_start3A_277 : memref<128x128xf32, #tpu.memory_space<hbm>>) target_semaphore(%dma_start3A_275 : memref<!tpu.dma_semaphore, #tpu.memory_space<semaphore_mem>>)
          "tpu.trace_stop"() : () -> ()
        } else {
        }
        %and3A_217 = arith.constant true
        %and3A_218 = arith.andi %or3A_213, %and3A_217 : i1
        %add3A_219 = arith.constant 1 : i32
        %add3A_220 = arith.addi %scan3A_124, %add3A_219 : i32
        %select_n3A_221 = arith.select %and3A_218, %add3A_220, %scan3A_124 : i32
        %ne3A_222 = arith.cmpi ne, %add3A_131, %add3A_140 : i32
        %or3A_223 = arith.constant false
        %or3A_224 = arith.ori %or3A_223, %ne3A_222 : i1
        %not3A_225 = arith.constant true
        %not3A_226 = arith.xori %eq3A_128, %not3A_225 : i1
        %and3A_227 = arith.andi %or3A_224, %not3A_226 : i1
        %convert_element_type3A_228 = arith.extui %and3A_227 : i1 to i32
        %cond3A_229 = arith.constant 0 : i32
        %cond3A_230 = arith.cmpi ne, %convert_element_type3A_228, %cond3A_229 : i32
        scf.if %cond3A_230 {
        } else {
        }
        %and3A_231 = arith.constant false
        %and3A_232 = arith.andi %and3A_227, %and3A_231 : i1
        %ne3A_233 = arith.cmpi ne, %add3A_131, %add3A_140 : i32
        %or3A_234 = arith.constant false
        %or3A_235 = arith.ori %or3A_234, %ne3A_233 : i1
        %or3A_236 = arith.constant false
        %or3A_237 = arith.ori %or3A_235, %or3A_236 : i1
        %not3A_238 = arith.constant true
        %not3A_239 = arith.xori %eq3A_128, %not3A_238 : i1
        %and3A_240 = arith.andi %or3A_237, %not3A_239 : i1
        %convert_element_type3A_241 = arith.extui %and3A_240 : i1 to i32
        %cond3A_242 = arith.constant 0 : i32
        %cond3A_243 = arith.cmpi ne, %convert_element_type3A_241, %cond3A_242 : i32
        scf.if %cond3A_243 {
          "tpu.trace_start"() <{level = 10 : i32, message = "ep_wait_out"}> : () -> ()
          %rem3A_264 = arith.constant 2 : i32
          %rem3A_265 = arith.remui %scan3A_125, %rem3A_264 : i32
          %mul3A_266 = arith.constant 128 : i32
          %mul3A_267 = arith.muli %mul3A_266, %add3A_140 : i32
          %dma_wait3A_268 = arith.constant 0 : i32
          %dma_wait3A_269 = arith.constant 0 : i32
          %dma_wait3A_270 = tpu.memref_slice %run_scoped3A_8[%rem3A_265, %dma_wait3A_268, %dma_wait3A_269] : memref<2x128x128xf32, #tpu.memory_space<vmem>> -> memref<1x128x128xf32, #tpu.memory_space<vmem>>
          %dma_wait3A_271 = tpu.memref_squeeze %dma_wait3A_270 : memref<1x128x128xf32, #tpu.memory_space<vmem>> -> memref<128x128xf32, #tpu.memory_space<vmem>>
          %dma_wait3A_272 = arith.constant 0 : i32
          %dma_wait3A_273 = tpu.memref_slice %arg4[%mul3A_267, %dma_wait3A_272] : memref<262144x128xf32, #tpu.memory_space<hbm>> -> memref<128x128xf32, #tpu.memory_space<hbm>>
          %dma_wait3A_274 = tpu.memref_slice %run_scoped3A_9[%rem3A_265] : memref<2x!tpu.dma_semaphore, #tpu.memory_space<semaphore_mem>> -> memref<1x!tpu.dma_semaphore, #tpu.memory_space<semaphore_mem>>
          %dma_wait3A_275 = tpu.memref_squeeze %dma_wait3A_274 : memref<1x!tpu.dma_semaphore, #tpu.memory_space<semaphore_mem>> -> memref<!tpu.dma_semaphore, #tpu.memory_space<semaphore_mem>>
          %dma_wait3A_276 = arith.constant 0 : i32
          %dma_wait3A_277 = tpu.memref_slice %arg4[%mul3A_267, %dma_wait3A_276] : memref<262144x128xf32, #tpu.memory_space<hbm>> -> memref<128x128xf32, #tpu.memory_space<hbm>>
          %dma_wait3A_278 = arith.constant 0 : i32
          %dma_wait3A_279 = arith.constant 0 : i32
          %dma_wait3A_280 = tpu.memref_slice %run_scoped3A_8[%rem3A_265, %dma_wait3A_278, %dma_wait3A_279] : memref<2x128x128xf32, #tpu.memory_space<vmem>> -> memref<1x128x128xf32, #tpu.memory_space<vmem>>
          %dma_wait3A_281 = tpu.memref_squeeze %dma_wait3A_280 : memref<1x128x128xf32, #tpu.memory_space<vmem>> -> memref<128x128xf32, #tpu.memory_space<vmem>>
          tpu.wait_dma2 semaphore(%dma_wait3A_275 : memref<!tpu.dma_semaphore, #tpu.memory_space<semaphore_mem>>) src(%dma_wait3A_281 : memref<128x128xf32, #tpu.memory_space<vmem>>) dst(%dma_wait3A_277 : memref<128x128xf32, #tpu.memory_space<hbm>>)
          "tpu.trace_stop"() : () -> ()
        } else {
        }
        %and3A_244 = arith.constant true
        %and3A_245 = arith.andi %and3A_240, %and3A_244 : i1
        %add3A_246 = arith.constant 1 : i32
        %add3A_247 = arith.addi %scan3A_125, %add3A_246 : i32
        %select_n3A_248 = arith.select %and3A_245, %add3A_247, %scan3A_125 : i32
        %ne3A_249 = arith.cmpi ne, %add3A_131, %add3A_149 : i32
        %or3A_250 = arith.constant false
        %or3A_251 = arith.ori %or3A_250, %ne3A_249 : i1
        %or3A_252 = arith.ori %or3A_251, %eq3A_130 : i1
        %add3A_253 = arith.constant 1 : i32
        %add3A_254 = arith.addi %scan3A_123, %add3A_253 : i32
        %select_n3A_255 = arith.select %or3A_252, %add3A_254, %scan3A_123 : i32
        %add3A_256 = arith.constant 1 : i32
        %add3A_257 = arith.addi %scan3A_126, %add3A_256 : i32
        %select_n3A_258 = arith.constant true
        %select_n3A_259 = arith.select %select_n3A_258, %add3A_257, %scan3A_126 : i32
        %eq3A_260 = arith.constant 64 : i32
        %eq3A_261 = arith.cmpi eq, %select_n3A_259, %eq3A_260 : i32
        %select_n3A_262 = arith.constant 0 : i32
        %select_n3A_263 = arith.select %eq3A_261, %select_n3A_262, %select_n3A_259 : i32
        scf.yield %select_n3A_167, %select_n3A_255, %select_n3A_221, %select_n3A_248, %select_n3A_263 : i32, i32, i32, i32, i32
      }
      %scan3A_68 = arith.constant 64 : i32
      %sub3A = arith.constant 1 : i32
      %sub3A_69 = arith.subi %scan3A_67#4, %sub3A : i32
      %select_n3A_70 = arith.constant true
      %select_n3A_71 = arith.select %select_n3A_70, %sub3A_69, %scan3A_67#4 : i32
      %eq3A_72 = arith.constant -1 : i32
      %eq3A_73 = arith.cmpi eq, %select_n3A_71, %eq3A_72 : i32
      %select_n3A_74 = arith.constant 63 : i32
      %select_n3A_75 = arith.select %eq3A_73, %select_n3A_74, %select_n3A_71 : i32
      %add3A_76 = arith.addi %select_n3A_75, %mul3A_6 : i32
      %sub3A_77 = arith.constant 1 : i32
      %sub3A_78 = arith.subi %select_n3A_75, %sub3A_77 : i32
      %select_n3A_79 = arith.constant true
      %select_n3A_80 = arith.select %select_n3A_79, %sub3A_78, %select_n3A_75 : i32
      %eq3A_81 = arith.constant -1 : i32
      %eq3A_82 = arith.cmpi eq, %select_n3A_80, %eq3A_81 : i32
      %select_n3A_83 = arith.constant 63 : i32
      %select_n3A_84 = arith.select %eq3A_82, %select_n3A_83, %select_n3A_80 : i32
      %add3A_85 = arith.addi %select_n3A_84, %mul3A_6 : i32
      %add3A_86 = arith.constant 1 : i32
      %add3A_87 = arith.addi %select_n3A_75, %add3A_86 : i32
      %select_n3A_88 = arith.constant true
      %select_n3A_89 = arith.select %select_n3A_88, %add3A_87, %select_n3A_75 : i32
      %eq3A_90 = arith.constant 64 : i32
      %eq3A_91 = arith.cmpi eq, %select_n3A_89, %eq3A_90 : i32
      %select_n3A_92 = arith.constant 0 : i32
      %select_n3A_93 = arith.select %eq3A_91, %select_n3A_92, %select_n3A_89 : i32
      %add3A_94 = arith.addi %select_n3A_93, %mul3A_6 : i32
      %add3A_95 = arith.constant 1 : i32
      %add3A_96 = arith.addi %select_n3A_93, %add3A_95 : i32
      %select_n3A_97 = arith.constant true
      %select_n3A_98 = arith.select %select_n3A_97, %add3A_96, %select_n3A_93 : i32
      %eq3A_99 = arith.constant 64 : i32
      %eq3A_100 = arith.cmpi eq, %select_n3A_98, %eq3A_99 : i32
      %select_n3A_101 = arith.constant 0 : i32
      %select_n3A_102 = arith.select %eq3A_100, %select_n3A_101, %select_n3A_98 : i32
      %add3A_103 = arith.addi %select_n3A_102, %mul3A_6 : i32
      "tpu.trace_start"() <{level = 10 : i32, message = "ep_finalize"}> : () -> ()
      %rem3A_104 = arith.constant 2 : i32
      %rem3A_105 = arith.remui %scan3A_67#3, %rem3A_104 : i32
      %mul3A_106 = arith.constant 128 : i32
      %mul3A_107 = arith.muli %mul3A_106, %add3A_76 : i32
      %dma_wait3A = arith.constant 0 : i32
      %dma_wait3A_108 = arith.constant 0 : i32
      %dma_wait3A_109 = tpu.memref_slice %run_scoped3A_8[%rem3A_105, %dma_wait3A, %dma_wait3A_108] : memref<2x128x128xf32, #tpu.memory_space<vmem>> -> memref<1x128x128xf32, #tpu.memory_space<vmem>>
      %dma_wait3A_110 = tpu.memref_squeeze %dma_wait3A_109 : memref<1x128x128xf32, #tpu.memory_space<vmem>> -> memref<128x128xf32, #tpu.memory_space<vmem>>
      %dma_wait3A_111 = arith.constant 0 : i32
      %dma_wait3A_112 = tpu.memref_slice %arg4[%mul3A_107, %dma_wait3A_111] : memref<262144x128xf32, #tpu.memory_space<hbm>> -> memref<128x128xf32, #tpu.memory_space<hbm>>
      %dma_wait3A_113 = tpu.memref_slice %run_scoped3A_9[%rem3A_105] : memref<2x!tpu.dma_semaphore, #tpu.memory_space<semaphore_mem>> -> memref<1x!tpu.dma_semaphore, #tpu.memory_space<semaphore_mem>>
      %dma_wait3A_114 = tpu.memref_squeeze %dma_wait3A_113 : memref<1x!tpu.dma_semaphore, #tpu.memory_space<semaphore_mem>> -> memref<!tpu.dma_semaphore, #tpu.memory_space<semaphore_mem>>
      %dma_wait3A_115 = arith.constant 0 : i32
      %dma_wait3A_116 = tpu.memref_slice %arg4[%mul3A_107, %dma_wait3A_115] : memref<262144x128xf32, #tpu.memory_space<hbm>> -> memref<128x128xf32, #tpu.memory_space<hbm>>
      %dma_wait3A_117 = arith.constant 0 : i32
      %dma_wait3A_118 = arith.constant 0 : i32
      %dma_wait3A_119 = tpu.memref_slice %run_scoped3A_8[%rem3A_105, %dma_wait3A_117, %dma_wait3A_118] : memref<2x128x128xf32, #tpu.memory_space<vmem>> -> memref<1x128x128xf32, #tpu.memory_space<vmem>>
      %dma_wait3A_120 = tpu.memref_squeeze %dma_wait3A_119 : memref<1x128x128xf32, #tpu.memory_space<vmem>> -> memref<128x128xf32, #tpu.memory_space<vmem>>
      tpu.wait_dma2 semaphore(%dma_wait3A_114 : memref<!tpu.dma_semaphore, #tpu.memory_space<semaphore_mem>>) src(%dma_wait3A_120 : memref<128x128xf32, #tpu.memory_space<vmem>>) dst(%dma_wait3A_116 : memref<128x128xf32, #tpu.memory_space<hbm>>)
      "tpu.trace_stop"() : () -> ()
      tpu.yield
    }) : () -> ()
    return
  }
}

module attributes {stable_mosaic.version = 14 : i64} {
  func.func @_stage_a_body(%arg0: i32, %arg1: memref<128x36xf32, #tpu.memory_space<vmem>>, %arg2: memref<128x104x32xf32, #tpu.memory_space<vmem>>, %arg3: memref<36x64xf32, #tpu.memory_space<vmem>>, %arg4: memref<1x64xf32, #tpu.memory_space<vmem>>, %arg5: memref<32x64xf32, #tpu.memory_space<vmem>>, %arg6: memref<1x64xf32, #tpu.memory_space<vmem>>, %arg7: memref<64x64xf32, #tpu.memory_space<vmem>>, %arg8: memref<64x64xf32, #tpu.memory_space<vmem>>, %arg9: memref<1x64xf32, #tpu.memory_space<vmem>>, %arg10: memref<1x64xf32, #tpu.memory_space<vmem>>, %arg11: memref<64x64xf32, #tpu.memory_space<vmem>>, %arg12: memref<64x64xf32, #tpu.memory_space<vmem>>, %arg13: memref<1x64xf32, #tpu.memory_space<vmem>>, %arg14: memref<128x100xf32, #tpu.memory_space<vmem>>, %arg15: memref<128x64xf32, #tpu.memory_space<vmem>>, %arg16: memref<128x16xf32, #tpu.memory_space<vmem>>, %arg17: memref<128x16xi32, #tpu.memory_space<vmem>>, %arg18: memref<128x16xi32, #tpu.memory_space<vmem>>) attributes {dimension_semantics = [#tpu.dimension_semantics<arbitrary>], iteration_bounds = array<i64: 128>, scalar_prefetch = 0 : i64, scratch_operands = 0 : i64, tpu.core_type = #tpu.core_type<tc>, window_params = [{transform_indices = @transform_0, window_bounds = array<i64: 128, 36>}, {transform_indices = @transform_1, window_bounds = array<i64: 128, 104, 32>}, {pipeline_mode = #tpu.pipeline_mode<synchronous>, transform_indices = @transform_2, window_bounds = array<i64: 36, 64>}, {pipeline_mode = #tpu.pipeline_mode<synchronous>, transform_indices = @transform_3, window_bounds = array<i64: 1, 64>}, {pipeline_mode = #tpu.pipeline_mode<synchronous>, transform_indices = @transform_4, window_bounds = array<i64: 32, 64>}, {pipeline_mode = #tpu.pipeline_mode<synchronous>, transform_indices = @transform_5, window_bounds = array<i64: 1, 64>}, {pipeline_mode = #tpu.pipeline_mode<synchronous>, transform_indices = @transform_6, window_bounds = array<i64: 64, 64>}, {pipeline_mode = #tpu.pipeline_mode<synchronous>, transform_indices = @transform_7, window_bounds = array<i64: 64, 64>}, {pipeline_mode = #tpu.pipeline_mode<synchronous>, transform_indices = @transform_8, window_bounds = array<i64: 1, 64>}, {pipeline_mode = #tpu.pipeline_mode<synchronous>, transform_indices = @transform_9, window_bounds = array<i64: 1, 64>}, {pipeline_mode = #tpu.pipeline_mode<synchronous>, transform_indices = @transform_10, window_bounds = array<i64: 64, 64>}, {pipeline_mode = #tpu.pipeline_mode<synchronous>, transform_indices = @transform_11, window_bounds = array<i64: 64, 64>}, {pipeline_mode = #tpu.pipeline_mode<synchronous>, transform_indices = @transform_12, window_bounds = array<i64: 1, 64>}, {transform_indices = @transform_13, window_bounds = array<i64: 128, 100>}, {transform_indices = @transform_14, window_bounds = array<i64: 128, 64>}, {transform_indices = @transform_15, window_bounds = array<i64: 128, 16>}, {transform_indices = @transform_16, window_bounds = array<i64: 128, 16>}, {transform_indices = @transform_17, window_bounds = array<i64: 128, 16>}]} {
    %get3A = arith.constant 0 : index
    %get3A_0 = arith.constant 0 : index
    %get3A_1 = vector.load %arg1[%get3A, %get3A_0] : memref<128x36xf32, #tpu.memory_space<vmem>>, vector<128x36xf32>
    %get3A_2 = arith.constant 0 : index
    %get3A_3 = arith.constant 0 : index
    %get3A_4 = vector.load %arg3[%get3A_2, %get3A_3] : memref<36x64xf32, #tpu.memory_space<vmem>>, vector<36x64xf32>
    %convert_element_type3A = arith.truncf %get3A_1 : vector<128x36xf32> to vector<128x36xbf16>
    %convert_element_type3A_5 = arith.truncf %get3A_4 : vector<36x64xf32> to vector<36x64xbf16>
    %dot_general3A = arith.constant dense<0.000000e+00> : vector<128x64xf32>
    %dot_general3A_6 = tpu.matmul %convert_element_type3A, %convert_element_type3A_5, %dot_general3A {dimension_numbers = #tpu.dot_dimension_numbers<[1], [0], [0], [1], [0, 0, 1, 1], [], []>, transpose_lhs_hint = false} : vector<128x36xbf16>, vector<36x64xbf16>, vector<128x64xf32> -> vector<128x64xf32>
    %get3A_7 = arith.constant 0 : index
    %get3A_8 = arith.constant 0 : index
    %get3A_9 = vector.load %arg4[%get3A_7, %get3A_8] : memref<1x64xf32, #tpu.memory_space<vmem>>, vector<1x64xf32>
    %add3A = vector.broadcast %get3A_9 : vector<1x64xf32> to vector<128x64xf32>
    %add3A_10 = arith.addf %dot_general3A_6, %add3A : vector<128x64xf32>
    %max3A = arith.constant 0.000000e+00 : f32
    %max3A_11 = vector.broadcast %max3A : f32 to vector<128x64xf32>
    %max3A_12 = arith.maximumf %add3A_10, %max3A_11 : vector<128x64xf32>
    %get3A_13 = arith.constant 0 : index
    %get3A_14 = arith.constant 0 : index
    %get3A_15 = arith.constant 0 : index
    %get3A_16 = vector.load %arg2[%get3A_13, %get3A_14, %get3A_15] : memref<128x104x32xf32, #tpu.memory_space<vmem>>, vector<128x104x32xf32>
    %reshape3A = vector.shape_cast %get3A_16 : vector<128x104x32xf32> to vector<13312x32xf32>
    %get3A_17 = arith.constant 0 : index
    %get3A_18 = arith.constant 0 : index
    %get3A_19 = vector.load %arg5[%get3A_17, %get3A_18] : memref<32x64xf32, #tpu.memory_space<vmem>>, vector<32x64xf32>
    %convert_element_type3A_20 = arith.truncf %reshape3A : vector<13312x32xf32> to vector<13312x32xbf16>
    %convert_element_type3A_21 = arith.truncf %get3A_19 : vector<32x64xf32> to vector<32x64xbf16>
    %dot_general3A_22 = arith.constant dense<0.000000e+00> : vector<13312x64xf32>
    %dot_general3A_23 = tpu.matmul %convert_element_type3A_20, %convert_element_type3A_21, %dot_general3A_22 {dimension_numbers = #tpu.dot_dimension_numbers<[1], [0], [0], [1], [0, 0, 1, 1], [], []>, transpose_lhs_hint = false} : vector<13312x32xbf16>, vector<32x64xbf16>, vector<13312x64xf32> -> vector<13312x64xf32>
    %get3A_24 = arith.constant 0 : index
    %get3A_25 = arith.constant 0 : index
    %get3A_26 = vector.load %arg6[%get3A_24, %get3A_25] : memref<1x64xf32, #tpu.memory_space<vmem>>, vector<1x64xf32>
    %add3A_27 = vector.broadcast %get3A_26 : vector<1x64xf32> to vector<13312x64xf32>
    %add3A_28 = arith.addf %dot_general3A_23, %add3A_27 : vector<13312x64xf32>
    %max3A_29 = arith.constant 0.000000e+00 : f32
    %max3A_30 = vector.broadcast %max3A_29 : f32 to vector<13312x64xf32>
    %max3A_31 = arith.maximumf %add3A_28, %max3A_30 : vector<13312x64xf32>
    %get3A_32 = arith.constant 0 : index
    %get3A_33 = arith.constant 0 : index
    %get3A_34 = vector.load %arg8[%get3A_32, %get3A_33] : memref<64x64xf32, #tpu.memory_space<vmem>>, vector<64x64xf32>
    %convert_element_type3A_35 = arith.truncf %max3A_12 : vector<128x64xf32> to vector<128x64xbf16>
    %convert_element_type3A_36 = arith.truncf %get3A_34 : vector<64x64xf32> to vector<64x64xbf16>
    %dot_general3A_37 = arith.constant dense<0.000000e+00> : vector<128x64xf32>
    %dot_general3A_38 = tpu.matmul %convert_element_type3A_35, %convert_element_type3A_36, %dot_general3A_37 {dimension_numbers = #tpu.dot_dimension_numbers<[1], [0], [0], [1], [0, 0, 1, 1], [], []>, transpose_lhs_hint = false} : vector<128x64xbf16>, vector<64x64xbf16>, vector<128x64xf32> -> vector<128x64xf32>
    %get3A_39 = arith.constant 0 : index
    %get3A_40 = arith.constant 0 : index
    %get3A_41 = vector.load %arg9[%get3A_39, %get3A_40] : memref<1x64xf32, #tpu.memory_space<vmem>>, vector<1x64xf32>
    %add3A_42 = vector.broadcast %get3A_41 : vector<1x64xf32> to vector<128x64xf32>
    %add3A_43 = arith.addf %dot_general3A_38, %add3A_42 : vector<128x64xf32>
    %broadcast_in_dim3A = vector.shape_cast %add3A_43 : vector<128x64xf32> to vector<128x1x64xf32>
    %broadcast_in_dim3A_44 = vector.shape_cast %broadcast_in_dim3A : vector<128x1x64xf32> to vector<128x1x64xf32>
    %broadcast_in_dim3A_45 = vector.broadcast %broadcast_in_dim3A_44 : vector<128x1x64xf32> to vector<128x104x64xf32>
    %reshape3A_46 = vector.shape_cast %broadcast_in_dim3A_45 : vector<128x104x64xf32> to vector<13312x64xf32>
    %get3A_47 = arith.constant 0 : index
    %get3A_48 = arith.constant 0 : index
    %get3A_49 = vector.load %arg7[%get3A_47, %get3A_48] : memref<64x64xf32, #tpu.memory_space<vmem>>, vector<64x64xf32>
    %convert_element_type3A_50 = arith.truncf %max3A_31 : vector<13312x64xf32> to vector<13312x64xbf16>
    %convert_element_type3A_51 = arith.truncf %get3A_49 : vector<64x64xf32> to vector<64x64xbf16>
    %dot_general3A_52 = arith.constant dense<0.000000e+00> : vector<13312x64xf32>
    %dot_general3A_53 = tpu.matmul %convert_element_type3A_50, %convert_element_type3A_51, %dot_general3A_52 {dimension_numbers = #tpu.dot_dimension_numbers<[1], [0], [0], [1], [0, 0, 1, 1], [], []>, transpose_lhs_hint = false} : vector<13312x64xbf16>, vector<64x64xbf16>, vector<13312x64xf32> -> vector<13312x64xf32>
    %add3A_54 = arith.addf %dot_general3A_53, %reshape3A_46 : vector<13312x64xf32>
    %tanh3A = math.tanh %add3A_54 : vector<13312x64xf32>
    %convert_element_type3A_55 = arith.truncf %tanh3A : vector<13312x64xf32> to vector<13312x64xbf16>
    %convert_element_type3A_56 = arith.extf %convert_element_type3A_55 : vector<13312x64xbf16> to vector<13312x64xf32>
    %reshape3A_57 = vector.shape_cast %convert_element_type3A_56 : vector<13312x64xf32> to vector<128x104x64xf32>
    %get3A_58 = arith.constant 0 : index
    %get3A_59 = arith.constant 0 : index
    %get3A_60 = vector.load %arg10[%get3A_58, %get3A_59] : memref<1x64xf32, #tpu.memory_space<vmem>>, vector<1x64xf32>
    %convert_element_type3A_61 = arith.truncf %get3A_60 : vector<1x64xf32> to vector<1x64xbf16>
    %convert_element_type3A_62 = arith.extf %convert_element_type3A_61 : vector<1x64xbf16> to vector<1x64xf32>
    %reshape3A_63 = vector.shape_cast %convert_element_type3A_62 : vector<1x64xf32> to vector<1x1x64xf32>
    %mul3A = vector.broadcast %reshape3A_63 : vector<1x1x64xf32> to vector<128x104x64xf32>
    %mul3A_64 = arith.mulf %reshape3A_57, %mul3A : vector<128x104x64xf32>
    %reduce_sum3A = arith.constant dense<0.000000e+00> : vector<128x104xf32>
    %reduce_sum3A_65 = vector.multi_reduction <add>, %mul3A_64, %reduce_sum3A [2] : vector<128x104x64xf32> to vector<128x104xf32>
    %iota3A = tpu.iota {dimensions = array<i32: 1>} : vector<128x104xi32>
    %lt3A = arith.constant 100 : i32
    %lt3A_66 = vector.broadcast %lt3A : i32 to vector<128x104xi32>
    %lt3A_67 = arith.cmpi slt, %iota3A, %lt3A_66 : vector<128x104xi32>
    %jit3A = arith.constant -1.000000e+30 : f32
    %broadcast_in_dim3A_68 = vector.broadcast %jit3A : f32 to vector<128x104xf32>
    %select_n3A = arith.select %lt3A_67, %reduce_sum3A_65, %broadcast_in_dim3A_68 : vector<128x104xi1>, vector<128x104xf32>
    %reduce_max3A = arith.constant dense<0xFF800000> : vector<128xf32>
    %reduce_max3A_69 = vector.multi_reduction <maximumf>, %select_n3A, %reduce_max3A [1] : vector<128x104xf32> to vector<128xf32>
    %broadcast_in_dim3A_70 = vector.shape_cast %reduce_max3A_69 : vector<128xf32> to vector<128x1xf32>
    %sub3A = vector.broadcast %broadcast_in_dim3A_70 : vector<128x1xf32> to vector<128x104xf32>
    %sub3A_71 = arith.subf %select_n3A, %sub3A : vector<128x104xf32>
    %exp3A = math.exp %sub3A_71 : vector<128x104xf32>
    %reduce_sum3A_72 = arith.constant dense<0.000000e+00> : vector<128xf32>
    %reduce_sum3A_73 = vector.multi_reduction <add>, %exp3A, %reduce_sum3A_72 [1] : vector<128x104xf32> to vector<128xf32>
    %broadcast_in_dim3A_74 = vector.shape_cast %reduce_sum3A_73 : vector<128xf32> to vector<128x1xf32>
    %div3A = vector.broadcast %broadcast_in_dim3A_74 : vector<128x1xf32> to vector<128x104xf32>
    %div3A_75 = arith.divf %exp3A, %div3A : vector<128x104xf32>
    %slice3A = vector.extract_strided_slice %div3A_75 {offsets = [0, 0], sizes = [128, 100], strides = [1, 1]} : vector<128x104xf32> to vector<128x100xf32>
    %swap3A = arith.constant 0 : index
    %swap3A_76 = arith.constant 0 : index
    %swap3A_77 = vector.load %arg14[%swap3A, %swap3A_76] : memref<128x100xf32, #tpu.memory_space<vmem>>, vector<128x100xf32>
    tpu.vector_store %arg14[%swap3A, %swap3A_76], %slice3A {strides = array<i32>} : memref<128x100xf32, #tpu.memory_space<vmem>>, vector<128x100xf32>,
    %broadcast_in_dim3A_78 = vector.shape_cast %div3A_75 : vector<128x104xf32> to vector<128x104x1xf32>
    %broadcast_in_dim3A_79 = vector.shape_cast %div3A_75 : vector<128x104xf32> to vector<128x1x104xf32>
    %iota3A_80 = tpu.iota {dimensions = array<i32: 1>} : vector<128x104x104xi32>
    %iota3A_81 = tpu.iota {dimensions = array<i32: 2>} : vector<128x104x104xi32>
    %gt3A = vector.broadcast %broadcast_in_dim3A_78 : vector<128x104x1xf32> to vector<128x104x104xf32>
    %gt3A_82 = vector.broadcast %broadcast_in_dim3A_79 : vector<128x1x104xf32> to vector<128x104x104xf32>
    %gt3A_83 = arith.cmpf ogt, %gt3A, %gt3A_82 : vector<128x104x104xf32>
    %eq3A = vector.broadcast %broadcast_in_dim3A_78 : vector<128x104x1xf32> to vector<128x104x104xf32>
    %eq3A_84 = vector.broadcast %broadcast_in_dim3A_79 : vector<128x1x104xf32> to vector<128x104x104xf32>
    %eq3A_85 = arith.cmpf oeq, %eq3A, %eq3A_84 : vector<128x104x104xf32>
    %lt3A_86 = arith.cmpi slt, %iota3A_80, %iota3A_81 : vector<128x104x104xi32>
    %and3A = arith.andi %eq3A_85, %lt3A_86 : vector<128x104x104xi1>
    %or3A = arith.ori %gt3A_83, %and3A : vector<128x104x104xi1>
    %convert_element_type3A_87 = arith.extui %or3A : vector<128x104x104xi1> to vector<128x104x104xi32>
    %convert_element_type3A_88 = arith.sitofp %convert_element_type3A_87 : vector<128x104x104xi32> to vector<128x104x104xf32>
    %reduce_sum3A_89 = arith.constant dense<0.000000e+00> : vector<128x104xf32>
    %reduce_sum3A_90 = vector.multi_reduction <add>, %convert_element_type3A_88, %reduce_sum3A_89 [2] : vector<128x104x104xf32> to vector<128x104xf32>
    %broadcast_in_dim3A_91 = vector.shape_cast %reduce_sum3A_90 : vector<128x104xf32> to vector<128x104x1xf32>
    %ge3A = arith.constant 8.800000e+01 : f32
    %ge3A_92 = vector.broadcast %ge3A : f32 to vector<128x104x1xf32>
    %ge3A_93 = arith.cmpf oge, %broadcast_in_dim3A_91, %ge3A_92 : vector<128x104x1xf32>
    %jit3A_94 = arith.constant 1.000000e+00 : f32
    %jit3A_95 = arith.constant 0.000000e+00 : f32
    %broadcast_in_dim3A_96 = vector.broadcast %jit3A_94 : f32 to vector<128x104x1xf32>
    %broadcast_in_dim3A_97 = vector.broadcast %jit3A_95 : f32 to vector<128x104x1xf32>
    %select_n3A_98 = arith.select %ge3A_93, %broadcast_in_dim3A_96, %broadcast_in_dim3A_97 : vector<128x104x1xi1>, vector<128x104x1xf32>
    %convert_element_type3A_99 = arith.truncf %max3A_31 : vector<13312x64xf32> to vector<13312x64xbf16>
    %convert_element_type3A_100 = arith.extf %convert_element_type3A_99 : vector<13312x64xbf16> to vector<13312x64xf32>
    %reshape3A_101 = vector.shape_cast %convert_element_type3A_100 : vector<13312x64xf32> to vector<128x104x64xf32>
    %sub3A_102 = arith.constant 1.000000e+00 : f32
    %sub3A_103 = vector.broadcast %sub3A_102 : f32 to vector<128x104x1xf32>
    %sub3A_104 = arith.subf %sub3A_103, %select_n3A_98 : vector<128x104x1xf32>
    %mul3A_105 = arith.mulf %broadcast_in_dim3A_78, %sub3A_104 : vector<128x104x1xf32>
    %convert_element_type3A_106 = arith.truncf %mul3A_105 : vector<128x104x1xf32> to vector<128x104x1xbf16>
    %convert_element_type3A_107 = arith.extf %convert_element_type3A_106 : vector<128x104x1xbf16> to vector<128x104x1xf32>
    %mul3A_108 = vector.broadcast %convert_element_type3A_107 : vector<128x104x1xf32> to vector<128x104x64xf32>
    %mul3A_109 = arith.mulf %mul3A_108, %reshape3A_101 : vector<128x104x64xf32>
    %reduce_sum3A_110 = arith.constant dense<0.000000e+00> : vector<128x64xf32>
    %reduce_sum3A_111 = vector.multi_reduction <add>, %mul3A_109, %reduce_sum3A_110 [1] : vector<128x104x64xf32> to vector<128x64xf32>
    %iota3A_112 = tpu.iota {dimensions = array<i32: 2>} : vector<128x104x16xi32>
    %convert_element_type3A_113 = arith.sitofp %iota3A_112 : vector<128x104x16xi32> to vector<128x104x16xf32>
    %sub3A_114 = arith.constant 1.030000e+02 : f32
    %sub3A_115 = vector.broadcast %sub3A_114 : f32 to vector<128x104x16xf32>
    %sub3A_116 = arith.subf %sub3A_115, %convert_element_type3A_113 : vector<128x104x16xf32>
    %eq3A_117 = vector.broadcast %broadcast_in_dim3A_91 : vector<128x104x1xf32> to vector<128x104x16xf32>
    %eq3A_118 = arith.cmpf oeq, %eq3A_117, %sub3A_116 : vector<128x104x16xf32>
    %jit3A_119 = arith.constant 0.000000e+00 : f32
    %broadcast_in_dim3A_120 = vector.shape_cast %broadcast_in_dim3A_78 : vector<128x104x1xf32> to vector<128x104x1xf32>
    %broadcast_in_dim3A_121 = vector.broadcast %broadcast_in_dim3A_120 : vector<128x104x1xf32> to vector<128x104x16xf32>
    %broadcast_in_dim3A_122 = vector.broadcast %jit3A_119 : f32 to vector<128x104x16xf32>
    %select_n3A_123 = arith.select %eq3A_118, %broadcast_in_dim3A_121, %broadcast_in_dim3A_122 : vector<128x104x16xi1>, vector<128x104x16xf32>
    %reduce_sum3A_124 = arith.constant dense<0.000000e+00> : vector<128x16xf32>
    %reduce_sum3A_125 = vector.multi_reduction <add>, %select_n3A_123, %reduce_sum3A_124 [1] : vector<128x104x16xf32> to vector<128x16xf32>
    %swap3A_126 = arith.constant 0 : index
    %swap3A_127 = arith.constant 0 : index
    %swap3A_128 = vector.load %arg16[%swap3A_126, %swap3A_127] : memref<128x16xf32, #tpu.memory_space<vmem>>, vector<128x16xf32>
    tpu.vector_store %arg16[%swap3A_126, %swap3A_127], %reduce_sum3A_125 {strides = array<i32>} : memref<128x16xf32, #tpu.memory_space<vmem>>, vector<128x16xf32>,
    %iota3A_129 = tpu.iota {dimensions = array<i32: 1>} : vector<128x104x16xi32>
    %jit3A_130 = arith.constant 0 : i32
    %broadcast_in_dim3A_131 = vector.broadcast %jit3A_130 : i32 to vector<128x104x16xi32>
    %select_n3A_132 = arith.select %eq3A_118, %iota3A_129, %broadcast_in_dim3A_131 : vector<128x104x16xi1>, vector<128x104x16xi32>
    %reduce_sum3A_133 = arith.constant dense<0> : vector<128x16xi32>
    %reduce_sum3A_134 = vector.multi_reduction <add>, %select_n3A_132, %reduce_sum3A_133 [1] : vector<128x104x16xi32> to vector<128x16xi32>
    %swap3A_135 = arith.constant 0 : index
    %swap3A_136 = arith.constant 0 : index
    %swap3A_137 = vector.load %arg17[%swap3A_135, %swap3A_136] : memref<128x16xi32, #tpu.memory_space<vmem>>, vector<128x16xi32>
    tpu.vector_store %arg17[%swap3A_135, %swap3A_136], %reduce_sum3A_134 {strides = array<i32>} : memref<128x16xi32, #tpu.memory_space<vmem>>, vector<128x16xi32>,
    %iota3A_138 = tpu.iota {dimensions = array<i32: 0>} : vector<128x16xi32>
    %mul3A_139 = arith.constant 128 : i32
    %mul3A_140 = arith.muli %arg0, %mul3A_139 : i32
    %add3A_141 = vector.broadcast %mul3A_140 : i32 to vector<128x16xi32>
    %add3A_142 = arith.addi %add3A_141, %iota3A_138 : vector<128x16xi32>
    %mul3A_143 = arith.constant 26 : i32
    %mul3A_144 = vector.broadcast %mul3A_143 : i32 to vector<128x16xi32>
    %mul3A_145 = arith.muli %add3A_142, %mul3A_144 : vector<128x16xi32>
    %jit3A_146 = arith.constant 4 : i32
    %div3A_147 = vector.broadcast %jit3A_146 : i32 to vector<128x16xi32>
    %div3A_148 = arith.divsi %reduce_sum3A_134, %div3A_147 : vector<128x16xi32>
    %sign3A = arith.constant 0 : i32
    %sign3A_149 = vector.broadcast %sign3A : i32 to vector<128x16xi32>
    %sign3A_150 = arith.cmpi sgt, %reduce_sum3A_134, %sign3A_149 : vector<128x16xi32>
    %sign3A_151 = arith.extui %sign3A_150 : vector<128x16xi1> to vector<128x16xi32>
    %sign3A_152 = arith.constant 0 : i32
    %sign3A_153 = vector.broadcast %sign3A_152 : i32 to vector<128x16xi32>
    %sign3A_154 = arith.cmpi slt, %reduce_sum3A_134, %sign3A_153 : vector<128x16xi32>
    %sign3A_155 = arith.extui %sign3A_154 : vector<128x16xi1> to vector<128x16xi32>
    %sign3A_156 = arith.subi %sign3A_151, %sign3A_155 : vector<128x16xi32>
    %sign3A_157 = arith.constant 0 : i32
    %sign3A_158 = arith.cmpi sgt, %jit3A_146, %sign3A_157 : i32
    %sign3A_159 = arith.extui %sign3A_158 : i1 to i32
    %sign3A_160 = arith.constant 0 : i32
    %sign3A_161 = arith.cmpi slt, %jit3A_146, %sign3A_160 : i32
    %sign3A_162 = arith.extui %sign3A_161 : i1 to i32
    %sign3A_163 = arith.subi %sign3A_159, %sign3A_162 : i32
    %ne3A = vector.broadcast %sign3A_163 : i32 to vector<128x16xi32>
    %ne3A_164 = arith.cmpi ne, %sign3A_156, %ne3A : vector<128x16xi32>
    %rem3A = vector.broadcast %jit3A_146 : i32 to vector<128x16xi32>
    %rem3A_165 = arith.remsi %reduce_sum3A_134, %rem3A : vector<128x16xi32>
    %ne3A_166 = arith.constant 0 : i32
    %ne3A_167 = vector.broadcast %ne3A_166 : i32 to vector<128x16xi32>
    %ne3A_168 = arith.cmpi ne, %rem3A_165, %ne3A_167 : vector<128x16xi32>
    %and3A_169 = arith.andi %ne3A_164, %ne3A_168 : vector<128x16xi1>
    %sub3A_170 = arith.constant 1 : i32
    %sub3A_171 = vector.broadcast %sub3A_170 : i32 to vector<128x16xi32>
    %sub3A_172 = arith.subi %div3A_148, %sub3A_171 : vector<128x16xi32>
    %select_n3A_173 = arith.select %and3A_169, %sub3A_172, %div3A_148 : vector<128x16xi1>, vector<128x16xi32>
    %add3A_174 = arith.addi %mul3A_145, %select_n3A_173 : vector<128x16xi32>
    %swap3A_175 = arith.constant 0 : index
    %swap3A_176 = arith.constant 0 : index
    %swap3A_177 = vector.load %arg18[%swap3A_175, %swap3A_176] : memref<128x16xi32, #tpu.memory_space<vmem>>, vector<128x16xi32>
    tpu.vector_store %arg18[%swap3A_175, %swap3A_176], %add3A_174 {strides = array<i32>} : memref<128x16xi32, #tpu.memory_space<vmem>>, vector<128x16xi32>,
    %get3A_178 = arith.constant 0 : index
    %get3A_179 = arith.constant 0 : index
    %get3A_180 = vector.load %arg11[%get3A_178, %get3A_179] : memref<64x64xf32, #tpu.memory_space<vmem>>, vector<64x64xf32>
    %convert_element_type3A_181 = arith.truncf %max3A_12 : vector<128x64xf32> to vector<128x64xbf16>
    %convert_element_type3A_182 = arith.truncf %get3A_180 : vector<64x64xf32> to vector<64x64xbf16>
    %dot_general3A_183 = arith.constant dense<0.000000e+00> : vector<128x64xf32>
    %dot_general3A_184 = tpu.matmul %convert_element_type3A_181, %convert_element_type3A_182, %dot_general3A_183 {dimension_numbers = #tpu.dot_dimension_numbers<[1], [0], [0], [1], [0, 0, 1, 1], [], []>, transpose_lhs_hint = false} : vector<128x64xbf16>, vector<64x64xbf16>, vector<128x64xf32> -> vector<128x64xf32>
    %get3A_185 = arith.constant 0 : index
    %get3A_186 = arith.constant 0 : index
    %get3A_187 = vector.load %arg12[%get3A_185, %get3A_186] : memref<64x64xf32, #tpu.memory_space<vmem>>, vector<64x64xf32>
    %convert_element_type3A_188 = arith.truncf %reduce_sum3A_111 : vector<128x64xf32> to vector<128x64xbf16>
    %convert_element_type3A_189 = arith.truncf %get3A_187 : vector<64x64xf32> to vector<64x64xbf16>
    %dot_general3A_190 = arith.constant dense<0.000000e+00> : vector<128x64xf32>
    %dot_general3A_191 = tpu.matmul %convert_element_type3A_188, %convert_element_type3A_189, %dot_general3A_190 {dimension_numbers = #tpu.dot_dimension_numbers<[1], [0], [0], [1], [0, 0, 1, 1], [], []>, transpose_lhs_hint = false} : vector<128x64xbf16>, vector<64x64xbf16>, vector<128x64xf32> -> vector<128x64xf32>
    %add3A_192 = arith.addf %dot_general3A_184, %dot_general3A_191 : vector<128x64xf32>
    %get3A_193 = arith.constant 0 : index
    %get3A_194 = arith.constant 0 : index
    %get3A_195 = vector.load %arg13[%get3A_193, %get3A_194] : memref<1x64xf32, #tpu.memory_space<vmem>>, vector<1x64xf32>
    %add3A_196 = vector.broadcast %get3A_195 : vector<1x64xf32> to vector<128x64xf32>
    %add3A_197 = arith.addf %add3A_192, %add3A_196 : vector<128x64xf32>
    %swap3A_198 = arith.constant 0 : index
    %swap3A_199 = arith.constant 0 : index
    %swap3A_200 = vector.load %arg15[%swap3A_198, %swap3A_199] : memref<128x64xf32, #tpu.memory_space<vmem>>, vector<128x64xf32>
    tpu.vector_store %arg15[%swap3A_198, %swap3A_199], %add3A_197 {strides = array<i32>} : memref<128x64xf32, #tpu.memory_space<vmem>>, vector<128x64xf32>,
    return
  }
  func.func @transform_0(%arg0: i32) -> (i32, i32) {
    %c0_i32 = arith.constant 0 : i32
    %c0_i32_0 = arith.constant 0 : i32
    return %arg0, %c0_i32 : i32, i32
  }
  func.func @transform_1(%arg0: i32) -> (i32, i32, i32) {
    %c0_i32 = arith.constant 0 : i32
    %c0_i32_0 = arith.constant 0 : i32
    %c0_i32_1 = arith.constant 0 : i32
    return %arg0, %c0_i32, %c0_i32_0 : i32, i32, i32
  }
  func.func @transform_2(%arg0: i32) -> (i32, i32) {
    %c0_i32 = arith.constant 0 : i32
    %c0_i32_0 = arith.constant 0 : i32
    %c0_i32_1 = arith.constant 0 : i32
    return %c0_i32, %c0_i32_0 : i32, i32
  }
  func.func @transform_3(%arg0: i32) -> (i32, i32) {
    %c0_i32 = arith.constant 0 : i32
    %c0_i32_0 = arith.constant 0 : i32
    %c0_i32_1 = arith.constant 0 : i32
    return %c0_i32, %c0_i32_0 : i32, i32
  }
  func.func @transform_4(%arg0: i32) -> (i32, i32) {
    %c0_i32 = arith.constant 0 : i32
    %c0_i32_0 = arith.constant 0 : i32
    %c0_i32_1 = arith.constant 0 : i32
    return %c0_i32, %c0_i32_0 : i32, i32
  }
  func.func @transform_5(%arg0: i32) -> (i32, i32) {
    %c0_i32 = arith.constant 0 : i32
    %c0_i32_0 = arith.constant 0 : i32
    %c0_i32_1 = arith.constant 0 : i32
    return %c0_i32, %c0_i32_0 : i32, i32
  }
  func.func @transform_6(%arg0: i32) -> (i32, i32) {
    %c0_i32 = arith.constant 0 : i32
    %c0_i32_0 = arith.constant 0 : i32
    %c0_i32_1 = arith.constant 0 : i32
    return %c0_i32, %c0_i32_0 : i32, i32
  }
  func.func @transform_7(%arg0: i32) -> (i32, i32) {
    %c0_i32 = arith.constant 0 : i32
    %c0_i32_0 = arith.constant 0 : i32
    %c0_i32_1 = arith.constant 0 : i32
    return %c0_i32, %c0_i32_0 : i32, i32
  }
  func.func @transform_8(%arg0: i32) -> (i32, i32) {
    %c0_i32 = arith.constant 0 : i32
    %c0_i32_0 = arith.constant 0 : i32
    %c0_i32_1 = arith.constant 0 : i32
    return %c0_i32, %c0_i32_0 : i32, i32
  }
  func.func @transform_9(%arg0: i32) -> (i32, i32) {
    %c0_i32 = arith.constant 0 : i32
    %c0_i32_0 = arith.constant 0 : i32
    %c0_i32_1 = arith.constant 0 : i32
    return %c0_i32, %c0_i32_0 : i32, i32
  }
  func.func @transform_10(%arg0: i32) -> (i32, i32) {
    %c0_i32 = arith.constant 0 : i32
    %c0_i32_0 = arith.constant 0 : i32
    %c0_i32_1 = arith.constant 0 : i32
    return %c0_i32, %c0_i32_0 : i32, i32
  }
  func.func @transform_11(%arg0: i32) -> (i32, i32) {
    %c0_i32 = arith.constant 0 : i32
    %c0_i32_0 = arith.constant 0 : i32
    %c0_i32_1 = arith.constant 0 : i32
    return %c0_i32, %c0_i32_0 : i32, i32
  }
  func.func @transform_12(%arg0: i32) -> (i32, i32) {
    %c0_i32 = arith.constant 0 : i32
    %c0_i32_0 = arith.constant 0 : i32
    %c0_i32_1 = arith.constant 0 : i32
    return %c0_i32, %c0_i32_0 : i32, i32
  }
  func.func @transform_13(%arg0: i32) -> (i32, i32) {
    %c0_i32 = arith.constant 0 : i32
    %c0_i32_0 = arith.constant 0 : i32
    return %arg0, %c0_i32 : i32, i32
  }
  func.func @transform_14(%arg0: i32) -> (i32, i32) {
    %c0_i32 = arith.constant 0 : i32
    %c0_i32_0 = arith.constant 0 : i32
    return %arg0, %c0_i32 : i32, i32
  }
  func.func @transform_15(%arg0: i32) -> (i32, i32) {
    %c0_i32 = arith.constant 0 : i32
    %c0_i32_0 = arith.constant 0 : i32
    return %arg0, %c0_i32 : i32, i32
  }
  func.func @transform_16(%arg0: i32) -> (i32, i32) {
    %c0_i32 = arith.constant 0 : i32
    %c0_i32_0 = arith.constant 0 : i32
    return %arg0, %c0_i32 : i32, i32
  }
  func.func @transform_17(%arg0: i32) -> (i32, i32) {
    %c0_i32 = arith.constant 0 : i32
    %c0_i32_0 = arith.constant 0 : i32
    return %arg0, %c0_i32 : i32, i32
  }
}

module attributes {stable_mosaic.version = 14 : i64} {
  func.func @_stage_c_body(%arg0: i32, %arg1: memref<512x2048xf32, #tpu.memory_space<vmem>>, %arg2: memref<512x16xf32, #tpu.memory_space<vmem>>, %arg3: memref<512x16xi32, #tpu.memory_space<vmem>>, %arg4: memref<512x64xf32, #tpu.memory_space<vmem>>, %arg5: memref<16x64xf32, #tpu.memory_space<vmem>>, %arg6: memref<64x2048xf32, #tpu.memory_space<vmem>>, %arg7: memref<2048x64xf32, #tpu.memory_space<vmem>>, %arg8: memref<1x64xf32, #tpu.memory_space<vmem>>, %arg9: memref<64x64xf32, #tpu.memory_space<vmem>>, %arg10: memref<512x64xf32, #tpu.memory_space<vmem>>) attributes {dimension_semantics = [#tpu.dimension_semantics<arbitrary>], iteration_bounds = array<i64: 32>, scalar_prefetch = 0 : i64, scratch_operands = 0 : i64, tpu.core_type = #tpu.core_type<tc>, window_params = [{transform_indices = @transform_0, window_bounds = array<i64: 512, 2048>}, {transform_indices = @transform_1, window_bounds = array<i64: 512, 16>}, {transform_indices = @transform_2, window_bounds = array<i64: 512, 16>}, {transform_indices = @transform_3, window_bounds = array<i64: 512, 64>}, {pipeline_mode = #tpu.pipeline_mode<synchronous>, transform_indices = @transform_4, window_bounds = array<i64: 16, 64>}, {pipeline_mode = #tpu.pipeline_mode<synchronous>, transform_indices = @transform_5, window_bounds = array<i64: 64, 2048>}, {pipeline_mode = #tpu.pipeline_mode<synchronous>, transform_indices = @transform_6, window_bounds = array<i64: 2048, 64>}, {pipeline_mode = #tpu.pipeline_mode<synchronous>, transform_indices = @transform_7, window_bounds = array<i64: 1, 64>}, {pipeline_mode = #tpu.pipeline_mode<synchronous>, transform_indices = @transform_8, window_bounds = array<i64: 64, 64>}, {transform_indices = @transform_9, window_bounds = array<i64: 512, 64>}]} {
    %get3A = arith.constant 0 : index
    %get3A_0 = arith.constant 0 : index
    %get3A_1 = vector.load %arg3[%get3A, %get3A_0] : memref<512x16xi32, #tpu.memory_space<vmem>>, vector<512x16xi32>
    %convert_element_type3A = arith.sitofp %get3A_1 : vector<512x16xi32> to vector<512x16xf32>
    %get3A_2 = arith.constant 0 : index
    %get3A_3 = arith.constant 0 : index
    %get3A_4 = vector.load %arg5[%get3A_2, %get3A_3] : memref<16x64xf32, #tpu.memory_space<vmem>>, vector<16x64xf32>
    %dot_general3A = arith.constant dense<0.000000e+00> : vector<512x64xf32>
    %dot_general3A_5 = tpu.matmul %convert_element_type3A, %get3A_4, %dot_general3A {dimension_numbers = #tpu.dot_dimension_numbers<[1], [0], [0], [1], [0, 0, 1, 1], [], []>, transpose_lhs_hint = false} : vector<512x16xf32>, vector<16x64xf32>, vector<512x64xf32> -> vector<512x64xf32>
    %get3A_6 = arith.constant 0 : index
    %get3A_7 = arith.constant 0 : index
    %get3A_8 = vector.load %arg2[%get3A_6, %get3A_7] : memref<512x16xf32, #tpu.memory_space<vmem>>, vector<512x16xf32>
    %get3A_9 = arith.constant 0 : index
    %get3A_10 = arith.constant 0 : index
    %get3A_11 = vector.load %arg5[%get3A_9, %get3A_10] : memref<16x64xf32, #tpu.memory_space<vmem>>, vector<16x64xf32>
    %dot_general3A_12 = arith.constant dense<0.000000e+00> : vector<512x64xf32>
    %dot_general3A_13 = tpu.matmul %get3A_8, %get3A_11, %dot_general3A_12 {dimension_numbers = #tpu.dot_dimension_numbers<[1], [0], [0], [1], [0, 0, 1, 1], [], []>, transpose_lhs_hint = false} : vector<512x16xf32>, vector<16x64xf32>, vector<512x64xf32> -> vector<512x64xf32>
    %iota3A = tpu.iota {dimensions = array<i32: 1>} : vector<512x64xi32>
    %jit3A = arith.constant 4 : i32
    %eq3A = arith.constant 0 : i32
    %eq3A_14 = arith.cmpi eq, %jit3A, %eq3A : i32
    %jit3A_15 = arith.constant 1 : i32
    %select_n3A = arith.select %eq3A_14, %jit3A_15, %jit3A : i32
    %rem3A = vector.broadcast %select_n3A : i32 to vector<512x64xi32>
    %rem3A_16 = arith.remsi %iota3A, %rem3A : vector<512x64xi32>
    %ne3A = arith.constant 0 : i32
    %ne3A_17 = vector.broadcast %ne3A : i32 to vector<512x64xi32>
    %ne3A_18 = arith.cmpi ne, %rem3A_16, %ne3A_17 : vector<512x64xi32>
    %lt3A = arith.constant 0 : i32
    %lt3A_19 = vector.broadcast %lt3A : i32 to vector<512x64xi32>
    %lt3A_20 = arith.cmpi slt, %rem3A_16, %lt3A_19 : vector<512x64xi32>
    %lt3A_21 = arith.constant 0 : i32
    %lt3A_22 = arith.cmpi slt, %select_n3A, %lt3A_21 : i32
    %ne3A_23 = vector.broadcast %lt3A_22 : i1 to vector<512x64xi1>
    %ne3A_24 = vector.broadcast %ne3A_23 : vector<512x64xi1> to vector<512x64xi1>
    %ne3A_25 = arith.xori %lt3A_20, %ne3A_24 : vector<512x64xi1>
    %and3A = arith.andi %ne3A_25, %ne3A_18 : vector<512x64xi1>
    %add3A = vector.broadcast %select_n3A : i32 to vector<512x64xi32>
    %add3A_26 = arith.addi %rem3A_16, %add3A : vector<512x64xi32>
    %select_n3A_27 = arith.select %and3A, %add3A_26, %rem3A_16 : vector<512x64xi1>, vector<512x64xi32>
    %convert_element_type3A_28 = arith.fptosi %dot_general3A_5 : vector<512x64xf32> to vector<512x64xi32>
    %jit3A_29 = arith.constant 4 : i32
    %eq3A_30 = arith.constant 0 : i32
    %eq3A_31 = arith.cmpi eq, %jit3A_29, %eq3A_30 : i32
    %jit3A_32 = arith.constant 1 : i32
    %select_n3A_33 = arith.select %eq3A_31, %jit3A_32, %jit3A_29 : i32
    %rem3A_34 = vector.broadcast %select_n3A_33 : i32 to vector<512x64xi32>
    %rem3A_35 = arith.remsi %convert_element_type3A_28, %rem3A_34 : vector<512x64xi32>
    %ne3A_36 = arith.constant 0 : i32
    %ne3A_37 = vector.broadcast %ne3A_36 : i32 to vector<512x64xi32>
    %ne3A_38 = arith.cmpi ne, %rem3A_35, %ne3A_37 : vector<512x64xi32>
    %lt3A_39 = arith.constant 0 : i32
    %lt3A_40 = vector.broadcast %lt3A_39 : i32 to vector<512x64xi32>
    %lt3A_41 = arith.cmpi slt, %rem3A_35, %lt3A_40 : vector<512x64xi32>
    %lt3A_42 = arith.constant 0 : i32
    %lt3A_43 = arith.cmpi slt, %select_n3A_33, %lt3A_42 : i32
    %ne3A_44 = vector.broadcast %lt3A_43 : i1 to vector<512x64xi1>
    %ne3A_45 = vector.broadcast %ne3A_44 : vector<512x64xi1> to vector<512x64xi1>
    %ne3A_46 = arith.xori %lt3A_41, %ne3A_45 : vector<512x64xi1>
    %and3A_47 = arith.andi %ne3A_46, %ne3A_38 : vector<512x64xi1>
    %add3A_48 = vector.broadcast %select_n3A_33 : i32 to vector<512x64xi32>
    %add3A_49 = arith.addi %rem3A_35, %add3A_48 : vector<512x64xi32>
    %select_n3A_50 = arith.select %and3A_47, %add3A_49, %rem3A_35 : vector<512x64xi1>, vector<512x64xi32>
    %eq3A_51 = arith.cmpi eq, %select_n3A_50, %select_n3A_27 : vector<512x64xi32>
    %jit3A_52 = arith.constant 0.000000e+00 : f32
    %broadcast_in_dim3A = vector.broadcast %jit3A_52 : f32 to vector<512x64xf32>
    %select_n3A_53 = arith.select %eq3A_51, %dot_general3A_13, %broadcast_in_dim3A : vector<512x64xi1>, vector<512x64xf32>
    %get3A_54 = arith.constant 0 : index
    %get3A_55 = arith.constant 0 : index
    %get3A_56 = vector.load %arg6[%get3A_54, %get3A_55] : memref<64x2048xf32, #tpu.memory_space<vmem>>, vector<64x2048xf32>
    %dot_general3A_57 = arith.constant dense<0.000000e+00> : vector<512x2048xf32>
    %dot_general3A_58 = tpu.matmul %select_n3A_53, %get3A_56, %dot_general3A_57 {dimension_numbers = #tpu.dot_dimension_numbers<[1], [0], [0], [1], [0, 0, 1, 1], [], []>, transpose_lhs_hint = false} : vector<512x64xf32>, vector<64x2048xf32>, vector<512x2048xf32> -> vector<512x2048xf32>
    %get3A_59 = arith.constant 0 : index
    %get3A_60 = arith.constant 0 : index
    %get3A_61 = vector.load %arg1[%get3A_59, %get3A_60] : memref<512x2048xf32, #tpu.memory_space<vmem>>, vector<512x2048xf32>
    %mul3A = arith.mulf %get3A_61, %dot_general3A_58 : vector<512x2048xf32>
    %get3A_62 = arith.constant 0 : index
    %get3A_63 = arith.constant 0 : index
    %get3A_64 = vector.load %arg7[%get3A_62, %get3A_63] : memref<2048x64xf32, #tpu.memory_space<vmem>>, vector<2048x64xf32>
    %convert_element_type3A_65 = arith.truncf %mul3A : vector<512x2048xf32> to vector<512x2048xbf16>
    %convert_element_type3A_66 = arith.truncf %get3A_64 : vector<2048x64xf32> to vector<2048x64xbf16>
    %dot_general3A_67 = arith.constant dense<0.000000e+00> : vector<512x64xf32>
    %dot_general3A_68 = tpu.matmul %convert_element_type3A_65, %convert_element_type3A_66, %dot_general3A_67 {dimension_numbers = #tpu.dot_dimension_numbers<[1], [0], [0], [1], [0, 0, 1, 1], [], []>, transpose_lhs_hint = false} : vector<512x2048xbf16>, vector<2048x64xbf16>, vector<512x64xf32> -> vector<512x64xf32>
    %get3A_69 = arith.constant 0 : index
    %get3A_70 = arith.constant 0 : index
    %get3A_71 = vector.load %arg8[%get3A_69, %get3A_70] : memref<1x64xf32, #tpu.memory_space<vmem>>, vector<1x64xf32>
    %add3A_72 = vector.broadcast %get3A_71 : vector<1x64xf32> to vector<512x64xf32>
    %add3A_73 = arith.addf %dot_general3A_68, %add3A_72 : vector<512x64xf32>
    %max3A = arith.constant 0.000000e+00 : f32
    %max3A_74 = vector.broadcast %max3A : f32 to vector<512x64xf32>
    %max3A_75 = arith.maximumf %add3A_73, %max3A_74 : vector<512x64xf32>
    %get3A_76 = arith.constant 0 : index
    %get3A_77 = arith.constant 0 : index
    %get3A_78 = vector.load %arg4[%get3A_76, %get3A_77] : memref<512x64xf32, #tpu.memory_space<vmem>>, vector<512x64xf32>
    %get3A_79 = arith.constant 0 : index
    %get3A_80 = arith.constant 0 : index
    %get3A_81 = vector.load %arg9[%get3A_79, %get3A_80] : memref<64x64xf32, #tpu.memory_space<vmem>>, vector<64x64xf32>
    %convert_element_type3A_82 = arith.truncf %max3A_75 : vector<512x64xf32> to vector<512x64xbf16>
    %convert_element_type3A_83 = arith.truncf %get3A_81 : vector<64x64xf32> to vector<64x64xbf16>
    %dot_general3A_84 = arith.constant dense<0.000000e+00> : vector<512x64xf32>
    %dot_general3A_85 = tpu.matmul %convert_element_type3A_82, %convert_element_type3A_83, %dot_general3A_84 {dimension_numbers = #tpu.dot_dimension_numbers<[1], [0], [0], [1], [0, 0, 1, 1], [], []>, transpose_lhs_hint = false} : vector<512x64xbf16>, vector<64x64xbf16>, vector<512x64xf32> -> vector<512x64xf32>
    %add3A_86 = arith.addf %get3A_78, %dot_general3A_85 : vector<512x64xf32>
    %swap3A = arith.constant 0 : index
    %swap3A_87 = arith.constant 0 : index
    %swap3A_88 = vector.load %arg10[%swap3A, %swap3A_87] : memref<512x64xf32, #tpu.memory_space<vmem>>, vector<512x64xf32>
    tpu.vector_store %arg10[%swap3A, %swap3A_87], %add3A_86 {strides = array<i32>} : memref<512x64xf32, #tpu.memory_space<vmem>>, vector<512x64xf32>,
    return
  }
  func.func @transform_0(%arg0: i32) -> (i32, i32) {
    %c0_i32 = arith.constant 0 : i32
    %c0_i32_0 = arith.constant 0 : i32
    return %arg0, %c0_i32 : i32, i32
  }
  func.func @transform_1(%arg0: i32) -> (i32, i32) {
    %c0_i32 = arith.constant 0 : i32
    %c0_i32_0 = arith.constant 0 : i32
    return %arg0, %c0_i32 : i32, i32
  }
  func.func @transform_2(%arg0: i32) -> (i32, i32) {
    %c0_i32 = arith.constant 0 : i32
    %c0_i32_0 = arith.constant 0 : i32
    return %arg0, %c0_i32 : i32, i32
  }
  func.func @transform_3(%arg0: i32) -> (i32, i32) {
    %c0_i32 = arith.constant 0 : i32
    %c0_i32_0 = arith.constant 0 : i32
    return %arg0, %c0_i32 : i32, i32
  }
  func.func @transform_4(%arg0: i32) -> (i32, i32) {
    %c0_i32 = arith.constant 0 : i32
    %c0_i32_0 = arith.constant 0 : i32
    %c0_i32_1 = arith.constant 0 : i32
    return %c0_i32, %c0_i32_0 : i32, i32
  }
  func.func @transform_5(%arg0: i32) -> (i32, i32) {
    %c0_i32 = arith.constant 0 : i32
    %c0_i32_0 = arith.constant 0 : i32
    %c0_i32_1 = arith.constant 0 : i32
    return %c0_i32, %c0_i32_0 : i32, i32
  }
  func.func @transform_6(%arg0: i32) -> (i32, i32) {
    %c0_i32 = arith.constant 0 : i32
    %c0_i32_0 = arith.constant 0 : i32
    %c0_i32_1 = arith.constant 0 : i32
    return %c0_i32, %c0_i32_0 : i32, i32
  }
  func.func @transform_7(%arg0: i32) -> (i32, i32) {
    %c0_i32 = arith.constant 0 : i32
    %c0_i32_0 = arith.constant 0 : i32
    %c0_i32_1 = arith.constant 0 : i32
    return %c0_i32, %c0_i32_0 : i32, i32
  }
  func.func @transform_8(%arg0: i32) -> (i32, i32) {
    %c0_i32 = arith.constant 0 : i32
    %c0_i32_0 = arith.constant 0 : i32
    %c0_i32_1 = arith.constant 0 : i32
    return %c0_i32, %c0_i32_0 : i32, i32
  }
  func.func @transform_9(%arg0: i32) -> (i32, i32) {
    %c0_i32 = arith.constant 0 : i32
    %c0_i32_0 = arith.constant 0 : i32
    return %arg0, %c0_i32 : i32, i32
  }
}

</mosaic_0001>

<sc_bundles>
// kernel: kernel.5.cloned.1.call-start
scs
__scs_entry_jumppad:
0x0: {  	(pc) =	sbr.rel $0x88, $3  }
0x1: {  	(tag) =	ssettag $0x0;
	lr =	simm.s32 $0x1  }
0x2: {  	[smem:$0x3F95] =	sst lr;
	_ =	strace $0xD0000000  }
0x3: {  	_ = 	snop  }
0x4: {  	_ = 	snop  }
0x5: {  	_ = 	snop  }
0x6: {  	_ = 	snop  }
0x7: {  	_ = 	snop  }
__scs_overlays_trampoline_lowered:
0x8: {  	[smem:$0x3FA4] =	sst s0  }
0x9: {  	[smem:$0x3FA5] =	sst s1  }
0xa: {  	[smem:$0x3FA6] =	sst s2  }
0xb: {  	[smem:$0x3FA7] =	sst s3  }
0xc: {  	[smem:$0x3FA8] =	sst s4  }
0xd: {  	[smem:$0x3FA9] =	sst s5  }
0xe: {  	[smem:$0x3FAA] =	sst s6  }
0xf: {  	[smem:$0x3FAB] =	sst s7  }
0x10: {  	[smem:$0x3FAC] =	sst s8  }
0x11: {  	[smem:$0x3FAD] =	sst s9;
	s0 =	simm.s32 @!p0 $0x0  }
0x12: {  	s1 =	sld [smem:$0x3F93];
	s0 =	simm.s32 @p0 $0x1  }
0x13: {  	[smem:$0x3FAE] =	sst s0;
	s0 =	simm.s32 @!p1 $0x0  }
0x14: {  	s2 =	sld [smem:$0x3F92];
	s0 =	simm.s32 @p1 $0x1  }
0x15: {  	[smem:$0x3FAF] =	sst s0;
	s0 =	simm.s32 @!p2 $0x0  }
0x16: {  	s3 =	sld [smem:$0x3FDB];
	s0 =	simm.s32 @p2 $0x1  }
0x17: {  	s4 =	simm.s32 $0x1BF5;
	[smem:$0x3FB1] =	sst s0  }
0x18: {  	s0 =	sld [smem:$0x3F94];
	_ =	swait.ge [sflag:s4], $0x0  }
0x19: {  	s7 =	sld [smem:$0x3F95]  }
0x1a: {  	s8 =	sadd.s32 $0xFFFFE003, lr  }
0x1b: {  	s9 =	sadd.s32 $0xFFFFFEF7, lr;
	s5 =	simm.s32 $0xFFFFFFFF;
	p2 =	slt.u32 s8, $0xFFFFF086  }
0x1c: {  	p1 =	slt.u32 s9, $0xF7A;
	s5 =	simm.s32 @!p2 $0x0  }
0x1d: {  	s5 =	simm.s32 @p1 $0x1;
	p0 =	seq.s32 s7, s2  }
0x1e: {  	s7 =	smul.u32 @!p0 $0xF7A, s2;
	p2 =	seq.s32 @!p0 s5, $0x0  }
0x1f: {  	s9 =	smul.u32 $0xF7A, s1;
	s8 =	simm.s32 @!p0 $0x1BF5;
	p2 =	por !p2, p0  }
0x20: {  	[sflag:s8] =	ssyncset.s32 @!p0 $0xFFFFF086;
	s6 =	sadd.s32 @!p0 s3, s7;
	s7 =	simm.s32 @!p0 $0x108  }
0x21: {  	s3 =	sadd.s32 s3, s9;
	s6 =	sadd.s32 @!p0 $0x88, s6;
	s7 =	simm.s32 @p2 $0x1082  }
0x22: {  	[simem:s7], [sflag:s8] =	dma.local @!p0 [hbm:s6], $0xF7A  }
0x23: {  	s9 =	sor.u32 $0xD0000000, s2;
	s6 =	simm.s32 $0x108;
	_ =	swait.ge @!p0 [sflag:s8], $0x0  }
0x24: {  	s3 =	sadd.s32 $0x88, s3;
	s6 =	simm.s32 @!p1 $0x1082;
	[sflag:s4] =	ssyncset.s32 $0xFFFFF086  }
0x25: {  	[simem:s6], [sflag:s4] =	dma.local [hbm:s3], $0xF7A  }
0x26: {  	[smem:$0x3F95] =	sst s1;
	(tag) =	ssettag s2;
	_ =	strace s9  }
0x27: {  	s1 =	sld [smem:$0x3FA5]  }
0x28: {  	s2 =	sld [smem:$0x3FA6]  }
0x29: {  	s4 =	sld [smem:$0x3FA8]  }
0x2a: {  	p0 =	seq.s32 s5, $0x0;
	s5 =	sld [smem:$0x3FA9]  }
0x2b: {  	s6 =	sld [smem:$0x3FAA]  }
0x2c: {  	s7 =	sld [smem:$0x3FAB]  }
0x2d: {  	s3 =	simm.s32 $0x108;
	s8 =	sld [smem:$0x3FAC]  }
0x2e: {  	s3 =	simm.s32 @!p0 $0x1082;
	s9 =	sld [smem:$0x3FAD]  }
0x2f: {  	lr =	sadd.s32 s0, s3;
	s0 =	sld [smem:$0x3FA4]  }
0x30: {  	s3 =	sld [smem:$0x3FA7]  }
0x31: {  	[smem:$0x3FB0] =	sst s10  }
0x32: {  	s10 =	sld [smem:$0x3FAE];
	_ =	sdelay $0x3  }
0x33: {  	p0 =	seq.s32 s10, $0x1;
	s10 =	sld [smem:$0x3FB0];
	_ =	sdelay $0x3  }
0x34: {  	[smem:$0x3FB0] =	sst s10  }
0x35: {  	s10 =	sld [smem:$0x3FAF];
	_ =	sdelay $0x3  }
0x36: {  	p1 =	seq.s32 s10, $0x1;
	s10 =	sld [smem:$0x3FB0];
	_ =	sdelay $0x3  }
0x37: {  	[smem:$0x3FB0] =	sst s10  }
0x38: {  	s10 =	sld [smem:$0x3FB1]  }
0x39: {  	_ = 	snop;
	(pc) =	sbr.ind lr, $3  }
0x3a: {  	_ = 	snop  }
0x3b: {  	_ = 	snop  }
0x3c: {  	p2 =	seq.s32 s10, $0x1;
	s10 =	sld [smem:$0x3FB0]  }
0x3d: {  	_ =	shalt  }
0x3e: {  	_ =	shalt  }
0x3f: {  	_ =	shalt  }
0x40: {  	_ =	shalt  }
0x41: {  	_ =	shalt  }
0x42: {  	_ =	shalt  }
0x43: {  	_ =	shalt  }
0x44: {  	_ =	shalt  }
0x45: {  	_ =	shalt  }
0x46: {  	_ =	shalt  }
0x47: {  	_ =	shalt  }
0x48: {  	_ =	shalt  }
0x49: {  	_ =	shalt  }
0x4a: {  	_ =	shalt  }
0x4b: {  	_ =	shalt  }
0x4c: {  	_ =	shalt  }
0x4d: {  	_ =	shalt  }
0x4e: {  	_ =	shalt  }
0x4f: {  	_ =	shalt  }
0x50: {  	_ =	shalt  }
0x51: {  	_ =	shalt  }
0x52: {  	_ =	shalt  }
0x53: {  	_ =	shalt  }
0x54: {  	_ =	shalt  }
0x55: {  	_ =	shalt  }
0x56: {  	_ =	shalt  }
0x57: {  	_ =	shalt  }
0x58: {  	_ =	shalt  }
0x59: {  	_ =	shalt  }
0x5a: {  	_ =	shalt  }
0x5b: {  	_ =	shalt  }
0x5c: {  	_ =	shalt  }
0x5d: {  	_ =	shalt  }
0x5e: {  	_ =	shalt  }
0x5f: {  	_ =	shalt  }
0x60: {  	_ =	shalt  }
0x61: {  	_ =	shalt  }
0x62: {  	_ =	shalt  }
0x63: {  	_ =	shalt  }
0x64: {  	_ =	shalt  }
0x65: {  	_ =	shalt  }
0x66: {  	_ =	shalt  }
0x67: {  	_ =	shalt  }
0x68: {  	_ =	shalt  }
0x69: {  	_ =	shalt  }
0x6a: {  	_ =	shalt  }
0x6b: {  	_ =	shalt  }
0x6c: {  	_ =	shalt  }
0x6d: {  	_ =	shalt  }
0x6e: {  	_ =	shalt  }
0x6f: {  	_ =	shalt  }
0x70: {  	_ =	shalt  }
0x71: {  	_ =	shalt  }
0x72: {  	_ =	shalt  }
0x73: {  	_ =	shalt  }
0x74: {  	_ =	shalt  }
0x75: {  	_ =	shalt  }
0x76: {  	_ =	shalt  }
0x77: {  	_ =	shalt  }
0x78: {  	_ =	shalt  }
0x79: {  	_ =	shalt  }
0x7a: {  	_ =	shalt  }
0x7b: {  	_ =	shalt  }
0x7c: {  	_ =	shalt  }
0x7d: {  	_ =	shalt  }
0x7e: {  	_ =	shalt  }
0x7f: {  	_ =	shalt  }
0x80: {  	_ =	shalt  }
0x81: {  	_ =	shalt  }
0x82: {  	_ =	shalt  }
0x83: {  	_ =	shalt  }
0x84: {  	_ =	shalt  }
0x85: {  	_ =	shalt  }
0x86: {  	_ =	shalt  }
0x87: {  	_ =	shalt  }
.Lfunc_end0:
.L_simem_size_0:
called_computation.1_lowered:
.L_overlay_start_0:
0x88: {  	s2 =	sld [smem:$0x3FD9]  }
0x89: {  	s3 =	sld [smem:$0x3FFE];
	_ =	sdelay $0x1  }
0x8a: {  	s1 =	srdreg.scid  }
0x8b: {  	s0 =	sand.u32 $0x1, s1  }
0x8c: {  	s14 =	sshll.u32 s0, $0xA;
	s2 =	sadd.s32 s3, s2  }
0x8d: {  	s2 =	sadd.s32 s2, s14  }
0x8e: {  	[smem:$0x3FBC] =	sst s2  }
0x8f: {  	_ = 	snop  }
0x90: {  	s2 =	sld [smem:$0x3FD0];
	_ =	sdelay $0x2  }
0x91: {  	s15 =	simm.s32 $0xA;
	s4 =	simm.s32 $0x10  }
0x92: {  	[smem:s4], [sflag:s15] =	dma.local [hbm:s2], $0x1  }
0x93: {  	_ =	swait.eq [sflag:s15], $0x1  }
0x94: {  	[sflag:s15] =	ssyncset.done $0x0  }
0x95: {  	[sflag:s15] =	ssyncadd.s32 $0xFFFFFFFF  }
0x96: {  	s16 =	sld [smem:$0x10];
	(tm) =	ssettm $0x1  }
0x97: {  	s17 =	sld [smem:$0x3FFB];
	_ =	sdelay $0x3  }
0x98: {  	_ =	strace s17  }
0x99: {  	s3 =	sld [smem:$0x3FFC];
	_ =	sdelay $0x3  }
0x9a: {  	_ =	strace s3  }
0x9b: {  	s3 =	sld [smem:$0x3FFD];
	_ =	sdelay $0x3  }
0x9c: {  	_ =	strace s3  }
0x9d: {  	_ =	strace $0x8FFFFFFF  }
0x9e: {  	s18 =	sld [smem:$0x3FDB];
	_ =	sdelay $0x1  }
0x9f: {  	s19 =	simm.s32 $_scs_section_size  }
0xa0: {  	s5 =	simm.s32 $_size__tile_overlayer_lowered;
	s6 =	simm.s32 $_tile_overlayer_lowered  }
0xa1: {  	s22 =	simm.s32 $0x1BFF;
	s21 =	sshll.u32 s6, $0x1;
	s3 =	sadd.s32 s19, s18  }
0xa2: {  	s7 =	simm.s32 $0x0;
	s20 =	sshll.u32 s5, $0x1;
	s5 =	sadd.s32 s21, s3  }
0xa3: {  	[timem:s7], [sflag:s22] =	dma.local [hbm:s5], s20  }
0xa4: {  	_ =	swait.ge [sflag:s22], s20  }
0xa5: {  	s4 =	ssub.s32 $0x0, s20;
	[sflag:s22] =	ssyncset.done $0x0  }
0xa6: {  	[sflag:s22] =	ssyncadd.s32 s4;
	_ =	sdelay $0x1  }
0xa7: {  	s23 =	simm.s32 $0x1B8B  }
0xa8: {  	_ =	swait.ge [sflag:s23], $0x1  }
0xa9: {  	[sflag:s23] =	ssyncset.done $0x0  }
0xaa: {  	s25 =	simm.s32 $0x1B8E;
	s24 =	sld [smem:$0x3FFE];
	[sflag:s23] =	ssyncadd.s32 $0xFFFFFFFF  }
0xab: {  	s26 =	simm.s32 $execute0_lowered;
	[smem:$0x3FD2] =	sst s25  }
0xac: {  	s5 =	sshll.u32 s26, $0x1;
	_ =	strace $0x80000049;
	[dreg:$0x1] =	wrdreg $0xFFFFFFFF  }
0xad: {  	s28 =	simm.s32 $_size_execute0_lowered;
	s3 =	sadd.s32 s3, s5;
	[dreg:$0x0] =	wrdreg $0x0  }
0xae: {  	s5 =	sshll.u32 s28, $0x1;
	[dreg:$0x2] =	wrdreg s3  }
0xaf: {  	[dreg:$0x3] =	wrdreg s5  }
0xb0: {  	[dreg:$0x4] =	wrdreg $0xC0  }
0xb1: {  	_ =	task [dreg:s7], $0x5FFFF  }
0xb2: {  	[dreg:$0x1] =	wrdreg $0xFFFFFFFF  }
0xb3: {  	[dreg:$0x0] =	wrdreg $0x60  }
0xb4: {  	[dreg:$0x2] =	wrdreg s24  }
0xb5: {  	[dreg:$0x3] =	wrdreg s16  }
0xb6: {  	[dreg:$0x4] =	wrdreg $0x9  }
0xb7: {  	_ =	task.clear_ibuf [dreg:s7], $0x5FFFF;
	_ =	strace $0x90000049  }
0xb8: {  	s29 =	simm.s32 $0x9;
	_ =	strace $0x80000052  }
0xb9: {  	_ =	swait.ge [sflag:s29], $0x1  }
0xba: {  	[sflag:s29] =	ssyncadd.s32 $0xFFFFFFFF  }
0xbb: {  	_ =	strace $0x90000052  }
0xbc: {  	_ =	sfence  }
0xbd: {  	s30 =	sld [smem:$0x0];
	_ =	sdelay $0x2  }
0xbe: {  	s31 =	sshll.u32 s1, $0xD;
	s1 =	sshrl.u32 s1, $0x2  }
0xbf: {  	s3 =	sand.u32 $0x4000, s31;
	s1 =	sadd.s32 s1, s30  }
0xc0: {  	s0 =	sor.u32 s3, s0;
	s1 =	sshll.u32 s1, $0x11  }
0xc1: {  	s0 =	sor.u32 s1, s0  }
0xc2: {  	s0 =	sadd.s32 $0x8F2B, s0  }
0xc3: {  	[sflag:s0] =	ssyncadd.remote.s32 $0x1  }
0xc4: {  	_ =	sfence.sel $0xFFFF  }
0xc5: {  	[dreg:$0x0] =	wrdreg $0xFFFFFFFF;
	(pc) =	sbr.abs _section_cstart, $3  }
0xc6: {  	[dreg:$0x1] =	wrdreg $0xFFFFFFFF  }
0xc7: {  	_ =	task.clear_ibuf [dreg:s7], $0x2FFFF;
	_ =	strace $0x9FFFFFFF  }
0xc8: {  	(tm) =	ssettm $0x7FFFFFFF  }
0xc9: {  	_ =	shalt  }
tec
execute0_lowered:
.L_overlay_start_1:
0x0: {  	(tag) =	ssettag $0x1  }
0x1: {  	s4 =	rddreg [dreg:$0x0]  }
0x2: {  	s1 =	rddreg [dreg:$0x1]  }
0x3: {  	s0 =	rddreg [dreg:$0x2];
	s2 =	simm.s32 $0x0  }
0x4: {  	s5 =	srdreg.scid;
	s8 =	simm.s32 $0x80;
	s9 =	simm.s32 $0x4  }
0x5: {  	s10 =	simm.s32 $0x0;
	[smem:$0x7FF] =	sst s2;
	s3 =	sadd.s32 $0x44E00, s4  }
0x6: {  	s4 =	sadd.s32 $0x7C4E00, s4;
	_ =	strace $0x8000004A;
	[dreg:$0x3] =	wrdreg s3  }
0x7: {  	s5 =	sand.u32 $0x1, s5;
	s3 =	stileid.u32;
	[dreg:$0x5] =	wrdreg s4  }
0x8: {  	s6 =	ssub.s32 $0x2, s5;
	s5 =	sshll.u32 s5, $0x4;
	[dreg:$0x4] =	wrdreg s8  }
0x9: {  	s8 =	simm.s32 $0x5;
	s7 =	sshrl.u32 s6, $0x1;
	s5 =	sor.u32 s3, s5  }
0xa: {  	s6 =	ssub.s32 s6, s7;
	s31 =	sshll.u32 s5, $0xA;
	s4 =	sshll.u32 s5, $0x6  }
0xb: {  	s7 =	simm.s32 $0x1;
	s5 =	sadd.s32 s1, s31;
	s6 =	smax.u32 s6, $0x1  }
.LBB2_1:
0xc: {  	_ =	strace $0x8000004B;
	s11 =	simm.s32 $0x1;
	p0 =	por $0x0, $0x0  }
0xd: {  	[tilespmem:s2], [sflag:$0x1] =	stream.linear.gather [hbm4b:s5+s2], $0x80, $0x200038;
	[tilespmem:$0x8100] =	vst v63  }
0xe: {  	s11 =	simm.s32 @p0 $0x0  }
0xf: {  	p4 =	por $0x1, $0x1;
	s20 =	sand.u32 $0x1, s2;
	p1 =	sne.s32 s11, $0x0  }
0x10: {  	p2 =	por $0x1, $0x1;
	s18 =	simm.s32 $0x3E;
	p0 =	por !p4, !p1  }
0x11: {  	s16 =	simm.s32 $0x0;
	p5 =	por $0x0, $0x0;
	p0 =	por !p0, !p0  }
0x12: {  	s23 =	sadd.s32 $0x0, s4;
	s30 =	sadd.s32 $0x1, s20;
	s12 =	sadd.s32 @p0 s4, s11  }
0x13: {  	_ =	strace $0x9000004B;
	s13 =	sand.u32 @p0 $0x1, s7;
	s12 =	sshll.u32 @p0 s12, $0x4  }
0x14: {  	_ =	strace @p0 $0x8000004C;
	s15 =	simm.s32 @p0 $0x0;
	s12 =	sand.u32 @p0 $0x1FFFFFF0, s12  }
0x15: {  	s14 =	sshll.u32 @p0 s13, $0x7;
	s13 =	sadd.s32 @p0 $0x1, s13;
	s12 =	sadd.s32 @p0 s1, s12  }
0x16: {  	[tilespmem:s14], [sflag:s13] =	stream.linear.gather @p0 [hbm4b:s12+s15], $0x80, $0x200038;
	[tilespmem:$0x8100] =	vst v63  }
0x17: {  	p3 =	por p2, p2;
	s21 =	sshll.u32 s20, $0xE;
	_ =	strace @p0 $0x9000004C  }
0x18: {  	s16 =	sand.u32 $0x80, s16;
	p2 =	por p5, p5;
	_ =	strace $0x8000004D  }
0x19: {  	s17 =	sadd.s32 $0x1, s11;
	s22 =	sor.u32 $0x100, s21;
	_ =	swait.ge [sflag:s30], $0x80  }
0x1a: {  	s21 =	simm.s32 $0x1;
	p6 =	por p1, p1;
	[sflag:s30] =	ssyncset.done $0x0  }
0x1b: {  	p1 =	por p3, p3;
	p4 =	por $0x1, $0x1;
	[sflag:s30] =	ssyncadd.s32 $0xFFFFFF80  }
0x1c: {  	s12 =	simm.s32 $0x3F;
	s15 =	sand.u32 @!p3 $0x1, s2;
	_ =	strace $0x9000004D  }
0x1d: {  	s13 =	simm.s32 $0x1;
	p3 =	seq.s32 s17, $0x40;
	_ =	strace $0x8000004E  }
0x1e: {  	s13 =	simm.s32 @!p0 $0x0;
	s17 =	simm.s32 @p3 $0x0;
	s19 =	rddreg [dreg:$0x4]  }
0x1f: {  	p0 =	por $0x0, $0x0;
	s14 =	sadd.s32 $0x1, s13;
	s31 =	rddreg [dreg:$0x3]  }
0x20: {  	[tilespmem:s22], [sflag:$0x5] =	stream.indirect.gather [hbm4b:s31+s19], $0x80, s16, s19, $0x2000b8;
	[tilespmem:$0x8100] =	vst v63  }
0x21: {  	p3 =	sne.s32 s11, s17;
	s21 =	simm.s32 @!p0 $0x0;
	_ =	swait.ge [sflag:s8], $0x4000  }
0x22: {  	p5 =	por !p4, !p3;
	p4 =	por $0x0, $0x0;
	[sflag:s8] =	ssyncset.done $0x0  }
0x23: {  	s13 =	simm.s32 $0x0;
	p6 =	por p4, p6;
	[sflag:s8] =	ssyncadd.s32 $0xFFFFC000  }
0x24: {  	s16 =	simm.s32 $0x0;
	s19 =	simm.s32 $0x0;
	_ =	strace $0x9000004E  }
.LBB2_2:
0x25: {  	_ =	strace @p6 $0x8000004F;
	s13 =	sadd.s32 s21, s13;
	s21 =	smov.u32 s12  }
0x26: {  	s12 =	smov.u32 s18;
	s18 =	sadd.s32 $0xFFFFFFFF, s18;
	p0 =	por p3, p3  }
0x27: {  	s28 =	sshll.u32 @p6 s23, $0xB;
	s20 =	sadd.s32 @p6 $0x3, s20;
	s24 =	simm.s32 @!p0 $0x0  }
0x28: {  	s25 =	rddreg [dreg:$0x5];
	s28 =	sand.u32 @p6 $0x1FFFF800, s28;
	s24 =	simm.s32 @p0 $0x1  }
0x29: {  	s25 =	sadd.s32 @p6 s25, s28;
	s28 =	simm.s32 @p6 $0x0;
	p0 =	sne.s32 s18, $0x0  }
0x2a: {  	[hbm4b:s25+s28] =	stream.linear.scatter @p6 [tilespmem:s22], [sflag:s20], $0x4000, $0x200038;
	[tilespmem:$0x8100] =	vst v63  }
0x2b: {  	s20 =	sadd.s32 @!p1 $0x3, s15;
	s15 =	simm.s32 @!p0 $0x0  }
0x2c: {  	s26 =	simm.s32 $0x1;
	[smem:$0x7FC] =	sst s24;
	s15 =	simm.s32 @p0 $0x1  }
0x2d: {  	s26 =	simm.s32 @!p6 $0x0;
	_ =	strace @p6 $0x9000004F;
	[smem:$0x7FD] =	sst s15  }
0x2e: {  	p5 =	por !p5, !p5;
	s19 =	sadd.s32 s26, s19;
	_ =	strace @!p1 $0x80000050  }
0x2f: {  	s24 =	sand.u32 @!p2 $0x1, s13;
	s22 =	sand.u32 @p5 $0x1, s14;
	_ =	swait.ge @!p1 [sflag:s20], $0x4000  }
0x30: {  	s15 =	smov.u32 s24;
	s24 =	sadd.s32 @p5 s4, s17;
	[sflag:s20] =	ssyncset.done @!p1 $0x0  }
0x31: {  	s25 =	sshll.u32 @p5 s22, $0x7;
	s24 =	sshll.u32 @p5 s24, $0x4;
	[sflag:s20] =	ssyncadd.s32 @!p1 $0xFFFFC000  }
0x32: {  	s20 =	sadd.s32 @p5 $0x1, s22;
	s22 =	sand.u32 @p5 $0x1FFFFFF0, s24;
	_ =	strace @!p1 $0x90000050  }
0x33: {  	s24 =	simm.s32 @p5 $0x0;
	s22 =	sadd.s32 @p5 s1, s22;
	_ =	strace @p5 $0x8000004C  }
0x34: {  	[tilespmem:s25], [sflag:s20] =	stream.linear.gather @p5 [hbm4b:s22+s24], $0x80, $0x200038;
	[tilespmem:$0x8100] =	vst v63  }
0x35: {  	s16 =	sadd.s32 s26, s16;
	s26 =	sand.u32 $0x1, s19;
	_ =	strace @p5 $0x9000004C  }
0x36: {  	s24 =	sadd.s32 $0x1, s26;
	_ =	strace $0x8000004D  }
0x37: {  	_ =	swait.ge [sflag:s24], $0x80  }
0x38: {  	[sflag:s24] =	ssyncset.done $0x0  }
0x39: {  	s20 =	simm.s32 $0x1;
	[sflag:s24] =	ssyncadd.s32 $0xFFFFFF80  }
0x3a: {  	s20 =	simm.s32 @!p5 $0x0;
	_ =	strace $0x9000004D  }
0x3b: {  	s14 =	sadd.s32 s20, s14;
	s20 =	sand.u32 $0x1, s16;
	_ =	strace $0x8000004E  }
0x3c: {  	s29 =	sshll.u32 s19, $0x7;
	s25 =	sshll.u32 s20, $0xE;
	s26 =	rddreg [dreg:$0x4]  }
0x3d: {  	s29 =	sand.u32 $0x80, s29;
	s22 =	sor.u32 $0x100, s25;
	s30 =	rddreg [dreg:$0x3]  }
0x3e: {  	[tilespmem:s22], [sflag:$0x5] =	stream.indirect.gather [hbm4b:s30+s26], $0x80, s29, s26, $0x2000b8;
	[tilespmem:$0x8100] =	vst v63  }
0x3f: {  	_ =	swait.ge [sflag:s8], $0x4000  }
0x40: {  	s31 =	sadd.s32 $0x1, s17;
	[sflag:s8] =	ssyncset.done $0x0  }
0x41: {  	s23 =	sadd.s32 s4, s11;
	s11 =	smov.u32 s17;
	[sflag:s8] =	ssyncadd.s32 $0xFFFFC000  }
0x42: {  	p3 =	seq.s32 s31, $0x40;
	s17 =	smov.u32 s31;
	_ =	strace $0x9000004E  }
0x43: {  	s17 =	simm.s32 @p3 $0x0;
	s31 =	sld [smem:$0x7FD]  }
0x44: {  	p6 =	sne.s32 s12, $0x1;
	p0 =	sne.s32 s21, $0x40;
	p3 =	sne.s32 s11, s17  }
0x45: {  	p5 =	por !p6, !p3;
	p6 =	seq.s32 s21, $0x1;
	s21 =	simm.s32 $0x1  }
0x46: {  	s21 =	simm.s32 @!p0 $0x0;
	p0 =	seq.s32 s31, $0x1  }
.Ltmp0:
0x47: {  	s30 =	sld [smem:$0x7FC];
	(pc) =	sbr.rel @p0 .LBB2_2-.Ltmp0, $4  }
0x48: {  	_ = 	snop  }
0x49: {  	p4 =	seq.s32 s12, $0x40  }
0x4a: {  	p1 =	por p2, p2;
	p2 =	por p4, p4;
	p4 =	seq.s32 s30, $0x1  }
0x4b: {  	p6 =	por p6, p4  }
0x4c: {  	_ =	strace @p6 $0x8000004F;
	s23 =	sshll.u32 @p6 s23, $0xB  }
0x4d: {  	s18 =	rddreg [dreg:$0x5];
	s23 =	sand.u32 @p6 $0x1FFFF800, s23  }
0x4e: {  	s20 =	sadd.s32 @p6 $0x3, s20;
	s18 =	sadd.s32 @p6 s18, s23;
	s23 =	simm.s32 @p6 $0x0  }
0x4f: {  	[hbm4b:s18+s23] =	stream.linear.scatter @p6 [tilespmem:s22], [sflag:s20], $0x4000, $0x200038;
	[tilespmem:$0x8100] =	vst v63  }
0x50: {  	p0 =	por !p5, !p5;
	_ =	strace @p6 $0x9000004F  }
0x51: {  	s15 =	sadd.s32 @!p1 $0x3, s15;
	s17 =	sadd.s32 @p0 s4, s17;
	_ =	strace @!p1 $0x80000050  }
0x52: {  	s14 =	sand.u32 @p0 $0x1, s14;
	s17 =	sshll.u32 @p0 s17, $0x4;
	_ =	swait.ge @!p1 [sflag:s15], $0x4000  }
0x53: {  	s18 =	simm.s32 $0x1;
	s20 =	sshll.u32 @p0 s14, $0x7;
	[sflag:s15] =	ssyncset.done @!p1 $0x0  }
0x54: {  	s14 =	sadd.s32 @p0 $0x1, s14;
	s18 =	simm.s32 @!p6 $0x0;
	[sflag:s15] =	ssyncadd.s32 @!p1 $0xFFFFC000  }
0x55: {  	s19 =	sadd.s32 s18, s19;
	s15 =	sand.u32 @p0 $0x1FFFFFF0, s17;
	_ =	strace @!p1 $0x90000050  }
0x56: {  	s17 =	simm.s32 @p0 $0x0;
	s15 =	sadd.s32 @p0 s1, s15;
	_ =	strace @p0 $0x8000004C  }
0x57: {  	[tilespmem:s20], [sflag:s14] =	stream.linear.gather @p0 [hbm4b:s15+s17], $0x80, $0x200038;
	[tilespmem:$0x8100] =	vst v63  }
0x58: {  	s25 =	sand.u32 $0x1, s19;
	_ =	strace @p0 $0x9000004C  }
0x59: {  	s14 =	sadd.s32 $0x1, s25;
	_ =	strace $0x8000004D  }
0x5a: {  	_ =	swait.ge [sflag:s14], $0x80  }
0x5b: {  	[sflag:s14] =	ssyncset.done $0x0  }
0x5c: {  	[sflag:s14] =	ssyncadd.s32 $0xFFFFFF80  }
0x5d: {  	s26 =	sadd.s32 s18, s16;
	_ =	strace $0x9000004D  }
0x5e: {  	s14 =	sand.u32 $0x1, s26;
	_ =	strace $0x8000004E  }
0x5f: {  	s30 =	sshll.u32 s19, $0x7;
	s31 =	sshll.u32 s14, $0xE;
	s28 =	rddreg [dreg:$0x4]  }
0x60: {  	s17 =	sand.u32 $0x80, s30;
	s18 =	sor.u32 $0x100, s31;
	s29 =	rddreg [dreg:$0x3]  }
0x61: {  	[tilespmem:s18], [sflag:$0x5] =	stream.indirect.gather [hbm4b:s29+s28], $0x80, s17, s28, $0x2000b8;
	[tilespmem:$0x8100] =	vst v63  }
0x62: {  	_ =	swait.ge [sflag:s8], $0x4000  }
0x63: {  	[sflag:s8] =	ssyncset.done $0x0  }
0x64: {  	p5 =	por p3, p3;
	p6 =	seq.s32 s12, $0x1;
	[sflag:s8] =	ssyncadd.s32 $0xFFFFC000  }
0x65: {  	s11 =	sadd.s32 s4, s11;
	p0 =	por p6, p5;
	_ =	strace $0x9000004E  }
0x66: {  	s11 =	sshll.u32 @p0 s11, $0xB;
	_ =	strace @p0 $0x8000004F  }
0x67: {  	s13 =	sadd.s32 s21, s13;
	s11 =	sand.u32 @p0 $0x1FFFF800, s11;
	s12 =	rddreg [dreg:$0x5]  }
0x68: {  	s14 =	sadd.s32 @p0 $0x3, s14;
	s11 =	sadd.s32 @p0 s12, s11;
	s12 =	simm.s32 @p0 $0x0  }
0x69: {  	[hbm4b:s11+s12] =	stream.linear.scatter @p0 [tilespmem:s18], [sflag:s14], $0x4000, $0x200038;
	[tilespmem:$0x8100] =	vst v63  }
0x6a: {  	p1 =	por p2, p2;
	s11 =	sand.u32 @!p2 $0x1, s13;
	_ =	strace @p0 $0x9000004F  }
0x6b: {  	s11 =	sadd.s32 @!p1 $0x3, s11;
	_ =	strace @!p1 $0x80000050  }
0x6c: {  	_ =	swait.ge @!p1 [sflag:s11], $0x4000  }
0x6d: {  	[sflag:s11] =	ssyncset.done @!p1 $0x0  }
0x6e: {  	s10 =	sadd.s32 $0x1, s10;
	[sflag:s11] =	ssyncadd.s32 @!p1 $0xFFFFC000  }
0x6f: {  	p0 =	sne.s32 s10, s6;
	_ =	strace @!p1 $0x90000050  }
.Ltmp1:
0x70: {  	_ =	strace $0x80000051;
	(pc) =	sbr.rel @p0 .LBB2_1-.Ltmp1, $4  }
0x71: {  	_ =	swait.ge [sflag:s9], $0x4000  }
0x72: {  	[sflag:s9] =	ssyncset.done $0x0  }
0x73: {  	[sflag:s9] =	ssyncadd.s32 $0xFFFFC000  }
0x74: {  	_ =	strace $0x90000051  }
0x75: {  	_ =	sfence.sel $0x180000  }
0x76: {  	[bflag:$0x0] =	sbarrier.arrive $0xFFFF  }
0x77: {  	p0 =	sne.s32 s3, $0x0;
	_ =	strace $0x9000004A  }
0x78: {  	s0 =	sadd.s32 @!p0 $0x100000, s0;
	[bflag:$0x2] =	sbarrier.arrive $0xFFFF  }
0x79: {  	[sflag:s0] =	ssyncadd.tile.s32 @!p0 $0x1;
	_ =	shalt  }
.Lfunc_end2:
_tile_overlayer_lowered:
.L_overlay_start_2:
0x7a: {  	(tag) =	ssettag $0x2  }
0x7b: {  	s0 =	rddreg [dreg:$0x0];
	s2 =	stileid.u32  }
0x7c: {  	s1 =	rddreg [dreg:$0x1];
	p0 =	sne.s32 s2, $0x0  }
0x7d: {  	s3 =	rddreg [dreg:$0x2];
	[bflag:$0x3] =	sbarrier.arrive $0xFFFF;
	s2 =	simm.s32 @!p0 $0x1C01  }
0x7e: {  	[timem:s3], [sflag:s2] =	dma.local @!p0 [hbm:s0], s1  }
0x7f: {  	s0 =	simm.s32 @!p0 $0x1  }
0x80: {  	_ =	swait.ge @!p0 [sflag:s0], s1  }
0x81: {  	s1 =	ssub.s32 @!p0 $0x0, s1;
	[sflag:s0] =	ssyncset.done @!p0 $0x0  }
0x82: {  	[sflag:s0] =	ssyncadd.s32 @!p0 s1  }
0x83: {  	[bflag:$0x3] =	sbarrier.arrive $0xFFFF  }
0x84: {  	_ =	shalt  }

// kernel: sparse-core-data-format-call.cloned.1.call-start
scs
called_computation_lowered:
.L_overlay_start_0:
0x0: {  	s1 =	sld [smem:$0x3FD9]  }
0x1: {  	s2 =	sld [smem:$0x3FFE];
	_ =	sdelay $0x1  }
0x2: {  	s3 =	srdreg.scid  }
0x3: {  	s0 =	sand.u32 $0x1, s3  }
0x4: {  	s17 =	sshll.u32 s0, $0xA;
	s1 =	sadd.s32 s2, s1  }
0x5: {  	s1 =	sadd.s32 s1, s17  }
0x6: {  	[smem:$0x3FBC] =	sst s1  }
0x7: {  	_ = 	snop  }
0x8: {  	(tm) =	ssettm $0x1  }
0x9: {  	s18 =	sld [smem:$0x3FFB];
	_ =	sdelay $0x3  }
0xa: {  	_ =	strace s18  }
0xb: {  	s1 =	sld [smem:$0x3FFC];
	_ =	sdelay $0x3  }
0xc: {  	_ =	strace s1  }
0xd: {  	s1 =	sld [smem:$0x3FFD];
	_ =	sdelay $0x3  }
0xe: {  	_ =	strace s1  }
0xf: {  	_ =	strace $0x8FFFFFFF  }
0x10: {  	s19 =	sld [smem:$0x3FDB];
	_ =	sdelay $0x1  }
0x11: {  	s20 =	simm.s32 $_scs_section_size  }
0x12: {  	s4 =	simm.s32 $_size__tile_overlayer_lowered;
	s5 =	simm.s32 $_tile_overlayer_lowered  }
0x13: {  	s23 =	simm.s32 $0x1BFF;
	s22 =	sshll.u32 s5, $0x1;
	s1 =	sadd.s32 s20, s19  }
0x14: {  	s6 =	simm.s32 $0x0;
	s21 =	sshll.u32 s4, $0x1;
	s4 =	sadd.s32 s22, s1  }
0x15: {  	[timem:s6], [sflag:s23] =	dma.local [hbm:s4], s21  }
0x16: {  	_ =	swait.ge [sflag:s23], s21  }
0x17: {  	s2 =	ssub.s32 $0x0, s21;
	[sflag:s23] =	ssyncset.done $0x0  }
0x18: {  	[sflag:s23] =	ssyncadd.s32 s2;
	_ =	sdelay $0x1  }
0x19: {  	s24 =	simm.s32 $0x1B8B  }
0x1a: {  	_ =	swait.ge [sflag:s24], $0x1  }
0x1b: {  	[sflag:s24] =	ssyncset.done $0x0  }
0x1c: {  	s26 =	simm.s32 $0x1B8E;
	s25 =	sld [smem:$0x3FFE];
	[sflag:s24] =	ssyncadd.s32 $0xFFFFFFFF  }
0x1d: {  	s27 =	simm.s32 $execute0_lowered;
	[smem:$0x3FD2] =	sst s26  }
0x1e: {  	s4 =	sshll.u32 s27, $0x1;
	_ =	strace $0x80000046;
	[dreg:$0x1] =	wrdreg $0xFFFFFFFF  }
0x1f: {  	s28 =	simm.s32 $_size_execute0_lowered;
	s1 =	sadd.s32 s1, s4;
	[dreg:$0x0] =	wrdreg $0x0  }
0x20: {  	s4 =	sshll.u32 s28, $0x1;
	[dreg:$0x2] =	wrdreg s1  }
0x21: {  	[dreg:$0x3] =	wrdreg s4  }
0x22: {  	[dreg:$0x4] =	wrdreg $0xC0  }
0x23: {  	_ =	task [dreg:s6], $0x5FFFF  }
0x24: {  	[dreg:$0x1] =	wrdreg $0xFFFFFFFF  }
0x25: {  	[dreg:$0x0] =	wrdreg $0x60  }
0x26: {  	[dreg:$0x2] =	wrdreg s25  }
0x27: {  	[dreg:$0x3] =	wrdreg $0x9  }
0x28: {  	_ =	task.clear_ibuf [dreg:s6], $0x4FFFF;
	_ =	strace $0x90000046  }
0x29: {  	s29 =	simm.s32 $0x9;
	_ =	strace $0x80000048  }
0x2a: {  	_ =	swait.ge [sflag:s29], $0x1  }
0x2b: {  	[sflag:s29] =	ssyncadd.s32 $0xFFFFFFFF  }
0x2c: {  	_ =	strace $0x90000048  }
0x2d: {  	_ =	sfence  }
0x2e: {  	s30 =	sld [smem:$0x0];
	_ =	sdelay $0x2  }
0x2f: {  	s31 =	sshll.u32 s3, $0xD;
	s3 =	sshrl.u32 s3, $0x2  }
0x30: {  	s2 =	sand.u32 $0x4000, s31;
	s1 =	sadd.s32 s3, s30  }
0x31: {  	s0 =	sor.u32 s2, s0;
	s1 =	sshll.u32 s1, $0x11  }
0x32: {  	s0 =	sor.u32 s1, s0  }
0x33: {  	s0 =	sadd.s32 $0x8F2B, s0  }
0x34: {  	[sflag:s0] =	ssyncadd.remote.s32 $0x1  }
0x35: {  	_ =	sfence.sel $0xFFFF  }
0x36: {  	[dreg:$0x0] =	wrdreg $0xFFFFFFFF;
	(pc) =	sbr.abs _section_cstart, $3  }
0x37: {  	[dreg:$0x1] =	wrdreg $0xFFFFFFFF  }
0x38: {  	_ =	task.clear_ibuf [dreg:s6], $0x2FFFF;
	_ =	strace $0x9FFFFFFF  }
0x39: {  	(tm) =	ssettm $0x7FFFFFFF  }
tec
execute0_lowered:
.L_overlay_start_1:
0x0: {  	(tag) =	ssettag $0x1  }
0x1: {  	s0 =	srdreg.scid  }
0x2: {  	s1 =	sshll.u32 s0, $0x4  }
0x3: {  	s0 =	stileid.u32;
	s1 =	sand.u32 $0x10, s1  }
0x4: {  	s5 =	rddreg [dreg:$0x0];
	s1 =	sor.u32 s0, s1  }
0x5: {  	s4 =	simm.s32 $0x1;
	s31 =	simm.s32 $0x2;
	s2 =	sshll.u32 s1, $0x9  }
0x6: {  	s12 =	simm.s32 $0x0;
	s8 =	simm.s32 $0x20;
	s3 =	ssub.s32 $0x4000, s2  }
0x7: {  	s9 =	simm.s32 $0x3400;
	s13 =	simm.s32 $0x0;
	s30 =	sand.u32 $0x3E00, s3  }
0x8: {  	s10 =	simm.s32 $0x0;
	s1 =	rddreg [dreg:$0x1];
	p0 =	sne.s32 s30, $0x0  }
.Ltmp0:
0x9: {  	s6 =	sshrl.u32 s3, $0xE;
	s4 =	simm.s32 @!p0 $0x0;
	(pc) =	sbr.rel .LBB1_1-.Ltmp0, $4  }
0xa: {  	_ =	strace $0x80000047;
	s3 =	simm.s32 $0x1;
	s4 =	sadd.s32 s4, s6  }
0xb: {  	s11 =	simm.s32 $0x0;
	[sflag:s3] =	ssyncpa.u1 $0x0;
	s4 =	smul.u32 $0x64, s4  }
0xc: {  	s7 =	sadd.s32 s2, s5;
	s5 =	sadd.s32 $0xBBC000, s5;
	[sflag:s31] =	ssyncpa.u1 $0x0  }
0xd: {  	p0 =	por $0x0, $0x0;
	s6 =	sadd.s32 $0x57C000, s7;
	s7 =	sor.u32 $0x1, s4  }
.LBB1_4:
0xe: {  	_ = 	snop  }
0xf: {  	[tilespmem:s18+$0x2D60 ss:$0x21] =	vst.msk $0xffff, v7  }
0x10: {  	[tilespmem:s18+$0x2F70 ss:$0x21] =	vst.msk $0xffff, v6  }
0x11: {  	[tilespmem:s18+$0x3390 ss:$0x21] =	vst.msk $0xffff, v3  }
0x12: {  	s21 =	sor.u32 s24, s23;
	v31 =	vld.idx.msk [tilespmem:v0+s16+$0xC70 ss:$0x1], $0xffff;
	[tilespmem:s18+$0x35A0 ss:$0x21] =	vst.msk $0xffff, v1  }
0x13: {  	[tilespmem:s18+$0x37B0 ss:$0x21] =	vst.msk $0xffff, v2;
	v43 =	vld.idx.msk [tilespmem:v0+s21+$0x410 ss:$0x1], $0xffff  }
0x14: {  	[tilespmem:s18+$0x39C0 ss:$0x21] =	vst.msk $0xffff, v4;
	v44 =	vld.idx.msk [tilespmem:v0+s21+$0x420 ss:$0x1], $0xffff  }
0x15: {  	[tilespmem:s18+$0x3BD0 ss:$0x21] =	vst.msk $0xffff, v5;
	s22 =	sand.u32 $0x3200, s21;
	v45 =	vld.idx.msk [tilespmem:v0+s21+$0x430 ss:$0x1], $0xffff  }
0x16: {  	s20 =	sand.u32 $0x180, s20;
	s30 =	sshra.s32 s19, $0x2;
	[tilespmem:s18+$0x3DE0 ss:$0x21] =	vst.msk $0xffff, v8;
	v46 =	vld.idx.msk [tilespmem:v0+s21+$0x440 ss:$0x1], $0xffff;
	s15 =	sadd.s32 s22, s15  }
0x17: {  	v47 =	vld.idx.msk [tilespmem:v0+s21+$0x450 ss:$0x1], $0xffff;
	s29 =	sadd.s32 s20, s15;
	s15 =	sadd.s32 s30, s17;
	[tilespmem:s18+$0x3FF0 ss:$0x21] =	vst.msk $0xffff, v31  }
0x18: {  	v48 =	vld.idx.msk [tilespmem:v0+s21+$0x460 ss:$0x1], $0xffff;
	[tilespmem:s15+$0x1290 ss:$0x21] =	vst.msk $0xffff, v43  }
0x19: {  	v49 =	vld.idx.msk [tilespmem:v0+s21+$0x470 ss:$0x1], $0xffff;
	[tilespmem:s15+$0x14A0 ss:$0x21] =	vst.msk $0xffff, v44  }
0x1a: {  	v50 =	vld.idx.msk [tilespmem:v0+s21+$0x810 ss:$0x1], $0xffff;
	[tilespmem:s15+$0x16B0 ss:$0x21] =	vst.msk $0xffff, v45  }
0x1b: {  	v51 =	vld.idx.msk [tilespmem:v0+s21+$0x820 ss:$0x1], $0xffff;
	[tilespmem:s15+$0x18C0 ss:$0x21] =	vst.msk $0xffff, v46  }
0x1c: {  	v52 =	vld.idx.msk [tilespmem:v0+s21+$0x830 ss:$0x1], $0xffff;
	[tilespmem:s15+$0x1AD0 ss:$0x21] =	vst.msk $0xffff, v47  }
0x1d: {  	v53 =	vld.idx.msk [tilespmem:v0+s21+$0x840 ss:$0x1], $0xffff;
	[tilespmem:s15+$0x1CE0 ss:$0x21] =	vst.msk $0xffff, v48  }
0x1e: {  	v54 =	vld.idx.msk [tilespmem:v0+s21+$0x850 ss:$0x1], $0xffff;
	[tilespmem:s15+$0x1EF0 ss:$0x21] =	vst.msk $0xffff, v49  }
0x1f: {  	v55 =	vld.idx.msk [tilespmem:v0+s21+$0x860 ss:$0x1], $0xffff;
	[tilespmem:s15+$0x2310 ss:$0x21] =	vst.msk $0xffff, v50  }
0x20: {  	v56 =	vld.idx.msk [tilespmem:v0+s21+$0x870 ss:$0x1], $0xffff;
	[tilespmem:s15+$0x2520 ss:$0x21] =	vst.msk $0xffff, v51  }
0x21: {  	v57 =	vld.idx.msk [tilespmem:v0+s21+$0xC10 ss:$0x1], $0xffff;
	[tilespmem:s15+$0x2730 ss:$0x21] =	vst.msk $0xffff, v52  }
0x22: {  	v58 =	vld.idx.msk [tilespmem:v0+s21+$0xC20 ss:$0x1], $0xffff;
	[tilespmem:s15+$0x2940 ss:$0x21] =	vst.msk $0xffff, v53  }
0x23: {  	v59 =	vld.idx.msk [tilespmem:v0+s21+$0xC30 ss:$0x1], $0xffff;
	[tilespmem:s15+$0x2B50 ss:$0x21] =	vst.msk $0xffff, v54  }
0x24: {  	v60 =	vld.idx.msk [tilespmem:v0+s21+$0xC40 ss:$0x1], $0xffff;
	[tilespmem:s15+$0x2D60 ss:$0x21] =	vst.msk $0xffff, v55  }
0x25: {  	v61 =	vld.idx.msk [tilespmem:v0+s21+$0xC50 ss:$0x1], $0xffff;
	[tilespmem:s15+$0x2F70 ss:$0x21] =	vst.msk $0xffff, v56  }
0x26: {  	v62 =	vld.idx.msk [tilespmem:v0+s21+$0xC60 ss:$0x1], $0xffff;
	[tilespmem:s15+$0x3390 ss:$0x21] =	vst.msk $0xffff, v57  }
0x27: {  	v63 =	vld.idx.msk [tilespmem:v0+s21+$0xC70 ss:$0x1], $0xffff;
	[tilespmem:s15+$0x35A0 ss:$0x21] =	vst.msk $0xffff, v58  }
0x28: {  	v32 =	vld [tilespmem:s29+$0xC00];
	[tilespmem:s15+$0x37B0 ss:$0x21] =	vst.msk $0xffff, v59  }
0x29: {  	v33 =	vld [tilespmem:s29+$0x0];
	[tilespmem:s15+$0x39C0 ss:$0x21] =	vst.msk $0xffff, v60  }
0x2a: {  	v34 =	vld [tilespmem:s29+$0x10];
	[tilespmem:s15+$0x3BD0 ss:$0x21] =	vst.msk $0xffff, v61  }
0x2b: {  	v35 =	vld [tilespmem:s29+$0x20];
	[tilespmem:s15+$0x3DE0 ss:$0x21] =	vst.msk $0xffff, v62  }
0x2c: {  	v36 =	vld [tilespmem:s29+$0x30];
	[tilespmem:s15+$0x3FF0 ss:$0x21] =	vst.msk $0xffff, v63  }
0x2d: {  	v37 =	vld [tilespmem:s29+$0x40];
	[tilespmem:s15+$0x3180 ss:$0x21] =	vst.msk $0xffff, v32  }
0x2e: {  	v38 =	vld [tilespmem:s29+$0x50];
	[tilespmem:s15+$0x0 ss:$0x21] =	vst.msk $0xffff, v33  }
0x2f: {  	v39 =	vld [tilespmem:s29+$0x60];
	[tilespmem:s15+$0x210 ss:$0x21] =	vst.msk $0xffff, v34  }
0x30: {  	s13 =	sand.u32 $0x1FFFFFF, s13;
	v40 =	vld [tilespmem:s29+$0x70];
	[tilespmem:s15+$0x420 ss:$0x21] =	vst.msk $0xffff, v35  }
0x31: {  	s31 =	smulhi.u32 $0x2762763, s13;
	v41 =	vld [tilespmem:s29+$0x400];
	[tilespmem:s15+$0x630 ss:$0x21] =	vst.msk $0xffff, v36  }
0x32: {  	v42 =	vld [tilespmem:s29+$0x800];
	[tilespmem:s15+$0x840 ss:$0x21] =	vst.msk $0xffff, v37  }
0x33: {  	s16 =	smul.u32 $0x68, s31;
	[tilespmem:s15+$0xA50 ss:$0x21] =	vst.msk $0xffff, v38  }
0x34: {  	s12 =	smul.u32 $0x680, s12;
	[tilespmem:s15+$0xC60 ss:$0x21] =	vst.msk $0xffff, v39  }
0x35: {  	s13 =	ssub.s32 s13, s16;
	[tilespmem:s15+$0xE70 ss:$0x21] =	vst.msk $0xffff, v40  }
0x36: {  	s12 =	sadd.s32 s5, s12;
	s13 =	sshll.u32 s13, $0x4;
	[tilespmem:s15+$0x1080 ss:$0x21] =	vst.msk $0xffff, v41  }
0x37: {  	s12 =	sadd.s32 s13, s12;
	[tilespmem:s15+$0x2100 ss:$0x21] =	vst.msk $0xffff, v42  }
0x38: {  	[hbm4b:s12+s8] =	stream.strided.scatter [tilespmem:s14], [sflag:$0x2], $0x4000, s9, s8, $0x10;
	[tilespmem:$0x10400] =	vst v63  }
.LBB1_5:
0x39: {  	s14 =	sadd.s32 $0x1, s10  }
0x3a: {  	p2 =	sgt.s32 s14, $0x63  }
0x3b: {  	s14 =	simm.s32 @p2 $0x0;
	p2 =	sne.s32 s11, s7  }
.Ltmp1:
0x3c: {  	p1 =	slt.u32 s11, $0x2;
	(pc) =	sbr.rel @!p2 .LBB1_6-.Ltmp1, $4  }
0x3d: {  	s12 =	simm.s32 @!p1 $0x2  }
0x3e: {  	s15 =	sadd.s32 $0x1, s11;
	s13 =	smov.u32 s10;
	_ =	swait.ge @!p1 [sflag:s12], $0x4000  }
0x3f: {  	p0 =	por !p0, !p0;
	s11 =	smov.u32 s15;
	[sflag:s12] =	ssyncset.done @!p1 $0x0  }
0x40: {  	s10 =	smov.u32 s14;
	[sflag:s12] =	ssyncadd.s32 @!p1 $0xFFFFC000;
	s12 =	smov.u32 s2  }
.LBB1_1:
0x41: {  	p1 =	sge.u32 s11, s4  }
0x42: {  	s31 =	sadd.s32 $0xFFFFFFFF, s11;
	s14 =	sxor.u32 @!p1 $0xFFFFFFFF, s11  }
0x43: {  	s15 =	sshll.u32 @!p1 s10, $0x10;
	s16 =	simm.s32 @!p1 $0x1000;
	s14 =	sshll.u32 @!p1 s14, $0xE  }
0x44: {  	s17 =	simm.s32 @!p1 $0x20000;
	s15 =	sadd.s32 @!p1 s15, s6;
	s14 =	sand.u32 @!p1 $0x4000, s14  }
0x45: {  	[tilespmem:s14], [sflag:$0x1] =	stream.strided.gather @!p1 [hbm4b:s15+s16], $0x4000, s17, s16, $0x38;
	[tilespmem:$0x10400] =	vst v63  }
0x46: {  	p1 =	sge.u32 s31, s4  }
.Ltmp2:
0x47: {  	_ = 	snop;
	(pc) =	sbr.rel @p1 .LBB1_5-.Ltmp2, $1  }
0x48: {  	_ =	sdelay $0x3  }
0x49: {  	s17 =	simm.s32 $0x0  }
0x4a: {  	s16 =	sand.u32 $0x3000, s17;
	s18 =	sand.u32 $0x380, s17  }
0x4b: {  	s14 =	sand.u32 $0x1, s11;
	s16 =	sor.u32 s18, s16  }
0x4c: {  	_ =	swait.ge [sflag:s3], $0x4000;
	s15 =	sshll.u32 s14, $0xE;
	s18 =	sand.u32 $0x3200, s16  }
0x4d: {  	[sflag:s3] =	ssyncset.done $0x0;
	s17 =	sand.u32 $0x180, s17;
	s18 =	sadd.s32 s18, s15  }
0x4e: {  	[sflag:s3] =	ssyncadd.s32 $0xFFFFC000;
	s20 =	sadd.s32 s17, s18  }
0x4f: {  	v4 =	vld [tilespmem:s20+$0xC00]  }
0x50: {  	s19 =	simm.s32 $0x1;
	v0 =	vmov s15;
	v5 =	vld [tilespmem:s20+$0x0]  }
0x51: {  	s19 =	simm.s32 @!p0 $0x0;
	v6 =	vld [tilespmem:s20+$0x10]  }
0x52: {  	s31 =	smul.u32 $0x10800, s19;
	v7 =	vld [tilespmem:s20+$0x20]  }
0x53: {  	v8 =	vld [tilespmem:s20+$0x30]  }
0x54: {  	s17 =	sshrl.u32 s31, $0x2;
	v9 =	vld [tilespmem:s20+$0x40]  }
0x55: {  	s17 =	sor.u32 $0x8000, s17;
	v1 =	vld.idx.msk [tilespmem:v0+s16+$0x410 ss:$0x1], $0xffff  }
0x56: {  	v2 =	vld.idx.msk [tilespmem:v0+s16+$0x420 ss:$0x1], $0xffff;
	s18 =	sadd.s32 $0x0, s17  }
0x57: {  	v3 =	vld.idx.msk [tilespmem:v0+s16+$0x430 ss:$0x1], $0xffff;
	[tilespmem:s18+$0x3180 ss:$0x21] =	vst.msk $0xffff, v4  }
0x58: {  	v10 =	vld.idx.msk [tilespmem:v0+s16+$0x820 ss:$0x1], $0xffff;
	[tilespmem:s18+$0x0 ss:$0x21] =	vst.msk $0xffff, v5  }
0x59: {  	v11 =	vld.idx.msk [tilespmem:v0+s16+$0x830 ss:$0x1], $0xffff;
	[tilespmem:s18+$0x210 ss:$0x21] =	vst.msk $0xffff, v6  }
0x5a: {  	v12 =	vld.idx.msk [tilespmem:v0+s16+$0x840 ss:$0x1], $0xffff;
	[tilespmem:s18+$0x420 ss:$0x21] =	vst.msk $0xffff, v7  }
0x5b: {  	v13 =	vld.idx.msk [tilespmem:v0+s16+$0x850 ss:$0x1], $0xffff;
	[tilespmem:s18+$0x630 ss:$0x21] =	vst.msk $0xffff, v8  }
0x5c: {  	v4 =	vld [tilespmem:s20+$0x50];
	[tilespmem:s18+$0x840 ss:$0x21] =	vst.msk $0xffff, v9  }
0x5d: {  	v5 =	vld [tilespmem:s20+$0x60];
	[tilespmem:s18+$0x1290 ss:$0x21] =	vst.msk $0xffff, v1  }
0x5e: {  	v6 =	vld [tilespmem:s20+$0x70];
	[tilespmem:s18+$0x14A0 ss:$0x21] =	vst.msk $0xffff, v2  }
0x5f: {  	v7 =	vld [tilespmem:s20+$0x400];
	[tilespmem:s18+$0x16B0 ss:$0x21] =	vst.msk $0xffff, v3  }
0x60: {  	v8 =	vld [tilespmem:s20+$0x800];
	[tilespmem:s18+$0x2520 ss:$0x21] =	vst.msk $0xffff, v10  }
0x61: {  	v9 =	vld.idx.msk [tilespmem:v0+s16+$0x470 ss:$0x1], $0xffff;
	[tilespmem:s18+$0x2730 ss:$0x21] =	vst.msk $0xffff, v11  }
0x62: {  	v3 =	vld.idx.msk [tilespmem:v0+s16+$0xC10 ss:$0x1], $0xffff;
	[tilespmem:s18+$0x2940 ss:$0x21] =	vst.msk $0xffff, v12  }
0x63: {  	v1 =	vld.idx.msk [tilespmem:v0+s16+$0xC20 ss:$0x1], $0xffff;
	[tilespmem:s18+$0x2B50 ss:$0x21] =	vst.msk $0xffff, v13  }
0x64: {  	v2 =	vld.idx.msk [tilespmem:v0+s16+$0xC30 ss:$0x1], $0xffff;
	[tilespmem:s18+$0xA50 ss:$0x21] =	vst.msk $0xffff, v4  }
0x65: {  	[tilespmem:s18+$0xE70 ss:$0x21] =	vst.msk $0xffff, v6;
	v6 =	vld.idx.msk [tilespmem:v0+s16+$0x460 ss:$0x1], $0xffff  }
0x66: {  	v4 =	vld.idx.msk [tilespmem:v0+s16+$0x440 ss:$0x1], $0xffff;
	[tilespmem:s18+$0xC60 ss:$0x21] =	vst.msk $0xffff, v5  }
0x67: {  	v5 =	vld.idx.msk [tilespmem:v0+s16+$0x450 ss:$0x1], $0xffff;
	[tilespmem:s18+$0x1080 ss:$0x21] =	vst.msk $0xffff, v7  }
0x68: {  	[tilespmem:s18+$0x2100 ss:$0x21] =	vst.msk $0xffff, v8;
	v8 =	vld.idx.msk [tilespmem:v0+s16+$0x810 ss:$0x1], $0xffff  }
0x69: {  	v7 =	vld.idx.msk [tilespmem:v0+s16+$0x860 ss:$0x1], $0xffff;
	[tilespmem:s18+$0x1EF0 ss:$0x21] =	vst.msk $0xffff, v9  }
0x6a: {  	s14 =	smul.u32 $0x10800, s14;
	[tilespmem:s18+$0x1CE0 ss:$0x21] =	vst.msk $0xffff, v6;
	v6 =	vld.idx.msk [tilespmem:v0+s16+$0x870 ss:$0x1], $0xffff  }
0x6b: {  	s21 =	simm.s32 $0x200;
	s22 =	simm.s32 $0x8;
	[tilespmem:s18+$0x18C0 ss:$0x21] =	vst.msk $0xffff, v4;
	v4 =	vld.idx.msk [tilespmem:v0+s16+$0xC40 ss:$0x1], $0xffff  }
0x6c: {  	s23 =	sand.u32 $0x3000, s21;
	s14 =	sshrl.u32 s14, $0x2;
	s20 =	simm.s32 $0x80;
	[tilespmem:s18+$0x1AD0 ss:$0x21] =	vst.msk $0xffff, v5;
	v5 =	vld.idx.msk [tilespmem:v0+s16+$0xC50 ss:$0x1], $0xffff  }
0x6d: {  	s19 =	simm.s32 $0x4;
	s14 =	sor.u32 $0x8000, s14;
	s24 =	sand.u32 $0x380, s20;
	[tilespmem:s18+$0x2310 ss:$0x21] =	vst.msk $0xffff, v8;
	v8 =	vld.idx.msk [tilespmem:v0+s16+$0xC60 ss:$0x1], $0xffff  }
.LBB1_3:
0x6e: {  	p1 =	sne.s32 s22, $0x7C;
	[tilespmem:s18+$0x2D60 ss:$0x21] =	vst.msk $0xffff, v7;
	v7 =	vld.idx.msk [tilespmem:v0+s16+$0xC70 ss:$0x1], $0xffff;
	s16 =	sor.u32 s24, s23  }
0x6f: {  	s23 =	sand.u32 $0x3200, s16;
	v9 =	vld.idx.msk [tilespmem:v0+s16+$0x410 ss:$0x1], $0xffff;
	[tilespmem:s18+$0x2F70 ss:$0x21] =	vst.msk $0xffff, v6  }
0x70: {  	s24 =	sand.u32 $0x180, s20;
	s23 =	sadd.s32 s23, s15;
	v6 =	vld.idx.msk [tilespmem:v0+s16+$0x420 ss:$0x1], $0xffff;
	[tilespmem:s18+$0x3390 ss:$0x21] =	vst.msk $0xffff, v3  }
0x71: {  	s23 =	sadd.s32 s24, s23;
	v3 =	vld.idx.msk [tilespmem:v0+s16+$0x430 ss:$0x1], $0xffff;
	[tilespmem:s18+$0x35A0 ss:$0x21] =	vst.msk $0xffff, v1  }
0x72: {  	v1 =	vld [tilespmem:s23+$0xC00];
	[tilespmem:s18+$0x37B0 ss:$0x21] =	vst.msk $0xffff, v2  }
0x73: {  	v2 =	vld [tilespmem:s23+$0x0];
	[tilespmem:s18+$0x39C0 ss:$0x21] =	vst.msk $0xffff, v4  }
0x74: {  	v4 =	vld [tilespmem:s23+$0x10];
	[tilespmem:s18+$0x3BD0 ss:$0x21] =	vst.msk $0xffff, v5  }
0x75: {  	s24 =	sshra.s32 s19, $0x2;
	s19 =	smov.u32 s22;
	v5 =	vld [tilespmem:s23+$0x20];
	[tilespmem:s18+$0x3DE0 ss:$0x21] =	vst.msk $0xffff, v8  }
0x76: {  	v8 =	vld [tilespmem:s23+$0x30];
	[tilespmem:s18+$0x3FF0 ss:$0x21] =	vst.msk $0xffff, v7;
	s18 =	sadd.s32 s24, s17  }
0x77: {  	v7 =	vld [tilespmem:s23+$0x40];
	[tilespmem:s18+$0x3180 ss:$0x21] =	vst.msk $0xffff, v1  }
0x78: {  	[tilespmem:s18+$0x0 ss:$0x21] =	vst.msk $0xffff, v2;
	v1 =	vld [tilespmem:s23+$0x50]  }
0x79: {  	[tilespmem:s18+$0x210 ss:$0x21] =	vst.msk $0xffff, v4;
	v2 =	vld [tilespmem:s23+$0x60]  }
0x7a: {  	[tilespmem:s18+$0x420 ss:$0x21] =	vst.msk $0xffff, v5;
	v4 =	vld [tilespmem:s23+$0x70]  }
0x7b: {  	[tilespmem:s18+$0x630 ss:$0x21] =	vst.msk $0xffff, v8;
	v5 =	vld [tilespmem:s23+$0x400]  }
0x7c: {  	[tilespmem:s18+$0x840 ss:$0x21] =	vst.msk $0xffff, v7;
	v7 =	vld [tilespmem:s23+$0x800]  }
0x7d: {  	[tilespmem:s18+$0xA50 ss:$0x21] =	vst.msk $0xffff, v1;
	v1 =	vld.idx.msk [tilespmem:v0+s16+$0x440 ss:$0x1], $0xffff  }
0x7e: {  	[tilespmem:s18+$0xC60 ss:$0x21] =	vst.msk $0xffff, v2;
	v2 =	vld.idx.msk [tilespmem:v0+s16+$0x450 ss:$0x1], $0xffff  }
0x7f: {  	[tilespmem:s18+$0xE70 ss:$0x21] =	vst.msk $0xffff, v4;
	v4 =	vld.idx.msk [tilespmem:v0+s16+$0x460 ss:$0x1], $0xffff  }
0x80: {  	[tilespmem:s18+$0x1080 ss:$0x21] =	vst.msk $0xffff, v5;
	v5 =	vld.idx.msk [tilespmem:v0+s16+$0x470 ss:$0x1], $0xffff  }
0x81: {  	[tilespmem:s18+$0x2100 ss:$0x21] =	vst.msk $0xffff, v7;
	v8 =	vld.idx.msk [tilespmem:v0+s16+$0x810 ss:$0x1], $0xffff  }
0x82: {  	[tilespmem:s18+$0x1290 ss:$0x21] =	vst.msk $0xffff, v9;
	v9 =	vld.idx.msk [tilespmem:v0+s16+$0x820 ss:$0x1], $0xffff  }
0x83: {  	[tilespmem:s18+$0x14A0 ss:$0x21] =	vst.msk $0xffff, v6;
	v10 =	vld.idx.msk [tilespmem:v0+s16+$0x830 ss:$0x1], $0xffff  }
0x84: {  	[tilespmem:s18+$0x16B0 ss:$0x21] =	vst.msk $0xffff, v3;
	v11 =	vld.idx.msk [tilespmem:v0+s16+$0x840 ss:$0x1], $0xffff  }
0x85: {  	[tilespmem:s18+$0x18C0 ss:$0x21] =	vst.msk $0xffff, v1;
	v12 =	vld.idx.msk [tilespmem:v0+s16+$0x850 ss:$0x1], $0xffff  }
0x86: {  	[tilespmem:s18+$0x1AD0 ss:$0x21] =	vst.msk $0xffff, v2;
	v7 =	vld.idx.msk [tilespmem:v0+s16+$0x860 ss:$0x1], $0xffff  }
0x87: {  	[tilespmem:s18+$0x1CE0 ss:$0x21] =	vst.msk $0xffff, v4;
	v6 =	vld.idx.msk [tilespmem:v0+s16+$0x870 ss:$0x1], $0xffff  }
0x88: {  	[tilespmem:s18+$0x1EF0 ss:$0x21] =	vst.msk $0xffff, v5;
	v3 =	vld.idx.msk [tilespmem:v0+s16+$0xC10 ss:$0x1], $0xffff  }
.Ltmp3:
0x89: {  	[tilespmem:s18+$0x2310 ss:$0x21] =	vst.msk $0xffff, v8;
	v1 =	vld.idx.msk [tilespmem:v0+s16+$0xC20 ss:$0x1], $0xffff;
	(pc) =	sbr.rel @p1 .LBB1_3-.Ltmp3, $4  }
0x8a: {  	[tilespmem:s18+$0x2520 ss:$0x21] =	vst.msk $0xffff, v9;
	v2 =	vld.idx.msk [tilespmem:v0+s16+$0xC30 ss:$0x1], $0xffff  }
0x8b: {  	[tilespmem:s18+$0x2730 ss:$0x21] =	vst.msk $0xffff, v10;
	v4 =	vld.idx.msk [tilespmem:v0+s16+$0xC40 ss:$0x1], $0xffff  }
0x8c: {  	s20 =	sadd.s32 $0x80, s20;
	s21 =	sadd.s32 $0x200, s21;
	[tilespmem:s18+$0x2940 ss:$0x21] =	vst.msk $0xffff, v11;
	v5 =	vld.idx.msk [tilespmem:v0+s16+$0xC50 ss:$0x1], $0xffff  }
0x8d: {  	s22 =	sadd.s32 $0x4, s22;
	s24 =	sand.u32 $0x380, s20;
	s23 =	sand.u32 $0x3000, s21;
	[tilespmem:s18+$0x2B50 ss:$0x21] =	vst.msk $0xffff, v12;
	v8 =	vld.idx.msk [tilespmem:v0+s16+$0xC60 ss:$0x1], $0xffff  }
.Ltmp4:
0x8e: {  	_ = 	snop;
	(pc) =	sbr.rel .LBB1_4-.Ltmp4, $1  }
0x8f: {  	_ =	sdelay $0x3  }
.LBB1_6:
0x90: {  	_ =	sfence.sel $0x180000  }
0x91: {  	s2 =	simm.s32 $0x1;
	[bflag:$0x0] =	sbarrier.arrive $0xFFFF  }
0x92: {  	s31 =	simm.s32 $0x2;
	[sflag:s2] =	ssyncpa.u1 $0x1  }
0x93: {  	[sflag:s31] =	ssyncpa.u1 $0x1  }
0x94: {  	p0 =	sne.s32 s0, $0x0;
	_ =	strace $0x90000047  }
0x95: {  	s0 =	sadd.s32 @!p0 $0x100000, s1;
	[bflag:$0x2] =	sbarrier.arrive $0xFFFF  }
0x96: {  	[sflag:s0] =	ssyncadd.tile.s32 @!p0 $0x1;
	_ =	shalt  }
.Lfunc_end1:
_tile_overlayer_lowered:
.L_overlay_start_2:
0x97: {  	(tag) =	ssettag $0x2  }
0x98: {  	s0 =	rddreg [dreg:$0x0];
	s2 =	stileid.u32  }
0x99: {  	s1 =	rddreg [dreg:$0x1];
	p0 =	sne.s32 s2, $0x0  }
0x9a: {  	s3 =	rddreg [dreg:$0x2];
	[bflag:$0x3] =	sbarrier.arrive $0xFFFF;
	s2 =	simm.s32 @!p0 $0x1C01  }
0x9b: {  	[timem:s3], [sflag:s2] =	dma.local @!p0 [hbm:s0], s1  }
0x9c: {  	s0 =	simm.s32 @!p0 $0x1  }
0x9d: {  	_ =	swait.ge @!p0 [sflag:s0], s1  }
0x9e: {  	s1 =	ssub.s32 @!p0 $0x0, s1;
	[sflag:s0] =	ssyncset.done @!p0 $0x0  }
0x9f: {  	[sflag:s0] =	ssyncadd.s32 @!p0 s1  }
0xa0: {  	[bflag:$0x3] =	sbarrier.arrive $0xFFFF  }
0xa1: {  	_ =	shalt  }

</sc_bundles>
